<compile_context>
chip_gen: v7x
topology: tpu7x:2x2x1
jax: 0.10.2.dev20260603
libtpu: 0.0.44.dev20260713+nightly
codegen_flags: <defaults>
</compile_context>

<pallas_src>
import functools

import jax
import jax.numpy as jnp
from jax import lax
from jax.experimental import pallas as pl
from jax.experimental.pallas import tpu as pltpu
from jax.experimental.pallas import tpu_sc as plsc

N_SRC = 5000
N_TGT = 5000
N_EDGE = 320000
D = 128
TW = 144
ONES_COL = 128

NC = 2
NS = 16
NW = NC * NS
CHUNK = 128
NCHUNK = N_EDGE // CHUNK
NCPT = 80
N_ACC = N_TGT + 8
RPS = N_ACC // NS

MM_BLK = 1000
CB_BLK = 1000


def _mm_body(x_ref, w_ref, o_ref):
    acc = jnp.dot(x_ref[...], w_ref[...], preferred_element_type=jnp.float32,
                  precision=lax.Precision.HIGHEST)
    col = lax.broadcasted_iota(jnp.int32, acc.shape, 1)
    o_ref[...] = acc + (col == ONES_COL).astype(jnp.float32)


_matmul = pl.pallas_call(
    _mm_body,
    grid=(N_SRC // MM_BLK,),
    in_specs=[
        pl.BlockSpec((MM_BLK, D), lambda i: (i, 0)),
        pl.BlockSpec((D, TW), lambda i: (0, 0)),
    ],
    out_specs=pl.BlockSpec((MM_BLK, TW), lambda i: (i, 0)),
    out_shape=jax.ShapeDtypeStruct((N_SRC, TW), jnp.float32),
)


def _edge_aggregate_body(table, ei3, zeros, out, sidx, didx, rows,
                         acc_sh, gsems, ssems):
    c = lax.axis_index("c")
    s = lax.axis_index("s")
    wid = s * NC + c
    start = wid * NCPT
    is_tail = wid == NW - 1
    n2 = jnp.where(is_tail, (NCHUNK - (NW - 1) * NCPT) // 2, NCPT // 2)
    load_start = jnp.minimum(start, NCHUNK - NCPT)
    off = start - load_start

    pltpu.sync_copy(zeros, acc_sh.at[pl.ds(s * RPS, RPS)])
    pltpu.sync_copy(ei3.at[0, pl.ds(load_start, NCPT)], sidx)
    pltpu.sync_copy(ei3.at[1, pl.ds(load_start, NCPT)], didx)

    n = 2 * n2

    plsc.subcore_barrier()

    pltpu.async_copy(table.at[sidx.at[off]], rows.at[0], gsems.at[0])
    pltpu.async_copy(table.at[sidx.at[off + 1]], rows.at[1], gsems.at[1])

    def slot(jj, b, bp):
        j = jj + off
        pltpu.make_async_copy(table.at[sidx.at[j]], rows.at[b],
                              gsems.at[b]).wait()
        pltpu.async_copy(rows.at[b], acc_sh.at[didx.at[j]],
                         ssems.at[b], add=True)

        @pl.when(jj >= 1)
        def _():
            pltpu.make_async_copy(rows.at[bp], acc_sh.at[didx.at[j - 1]],
                                  ssems.at[bp]).wait()

        @pl.when(jj + 2 < n)
        def _():
            pltpu.async_copy(table.at[sidx.at[j + 2]], rows.at[bp],
                             gsems.at[bp])

    def body2(i, carry):
        j0 = 2 * i
        b0 = lax.rem(j0, 3)
        slot(j0, b0, lax.rem(j0 + 2, 3))
        slot(j0 + 1, lax.rem(j0 + 1, 3), b0)
        return carry

    lax.fori_loop(0, n2, body2, 0)

    pltpu.make_async_copy(rows.at[lax.rem(n - 1, 3)],
                          acc_sh.at[didx.at[n - 1 + off]],
                          ssems.at[lax.rem(n - 1, 3)]).wait()

    plsc.subcore_barrier()

    pltpu.sync_copy(acc_sh.at[pl.ds(s * RPS, RPS)],
                    out.at[c, pl.ds(s * RPS, RPS)])


@functools.cache
def _make_edge_aggregate():
    mesh = plsc.VectorSubcoreMesh(
        core_axis_name="c", subcore_axis_name="s",
        num_cores=NC, num_subcores=NS)
    return pl.kernel(
        _edge_aggregate_body,
        out_type=jax.ShapeDtypeStruct((NC, N_ACC, TW), jnp.float32),
        mesh=mesh,
        scratch_types=[
            pltpu.VMEM((NCPT, CHUNK), jnp.int32),
            pltpu.VMEM((NCPT, CHUNK), jnp.int32),
            pltpu.VMEM((3, CHUNK, TW), jnp.float32),
            pltpu.VMEM_SHARED((N_ACC, TW), jnp.float32),
            pltpu.SemaphoreType.DMA((3,)),
            pltpu.SemaphoreType.DMA((3,)),
        ],
        compiler_params=pltpu.CompilerParams(use_tc_tiling_on_sc=False),
    )


def _combine_body(agg_ref, xs_ref, xt_ref, w_ref, os_ref, ot_ref):
    a = agg_ref[0] + agg_ref[1]
    feat = a[:, :D]
    deg = a[:, ONES_COL] + 1.0
    dis = 1.0 / jnp.sqrt(deg)
    xw_t = jnp.dot(xt_ref[...], w_ref[...],
                   preferred_element_type=jnp.float32,
                   precision=lax.Precision.HIGHEST)
    ot = dis[:, None] * feat + (dis * dis)[:, None] * xw_t
    ot_ref[...] = jnp.maximum(ot, 0.0)
    os_ref[...] = jnp.maximum(xs_ref[:, :D], 0.0)


_combine = pl.pallas_call(
    _combine_body,
    grid=(N_TGT // CB_BLK,),
    in_specs=[
        pl.BlockSpec((NC, CB_BLK, TW), lambda i: (0, i, 0)),
        pl.BlockSpec((CB_BLK, TW), lambda i: (i, 0)),
        pl.BlockSpec((CB_BLK, D), lambda i: (i, 0)),
        pl.BlockSpec((D, D), lambda i: (0, 0)),
    ],
    out_specs=[
        pl.BlockSpec((CB_BLK, D), lambda i: (i, 0)),
        pl.BlockSpec((CB_BLK, D), lambda i: (i, 0)),
    ],
    out_shape=[
        jax.ShapeDtypeStruct((N_SRC, D), jnp.float32),
        jax.ShapeDtypeStruct((N_TGT, D), jnp.float32),
    ],
)


def kernel(edge_index, x_s, x_t, W):
    w_ext = jnp.pad(W, ((0, 0), (0, TW - D)))
    xw = _matmul(x_s, w_ext)
    ei3 = edge_index.reshape(2, NCHUNK, CHUNK)
    zeros = jnp.zeros((RPS, TW), jnp.float32)
    agg = _make_edge_aggregate()(xw, ei3, zeros)
    out_s, out_t = _combine(agg, xw, x_t, W)
    return out_s, out_t

# --- scband reference (transcript-rebuilt; emitter-appended) ---
"""Pipeline reference for scband-graph-convolution-69526930588078 (READ-ONLY COPY).

The authoritative reference and input builder live on the scoring server;
editing this copy changes nothing except your own understanding.
"""

import jax, jax.numpy as jnp
import numpy as np

N_S = 5000
N_T = 5000
E = 320000
D_IN = 128
D_OUT = 128


def setup_inputs(seed: int = 0) -> dict:
    key = jax.random.key(seed)
    k1, k2, k3, k4 = jax.random.split(key, 4)
    # edge_index[0] indexes source nodes in [0, N_S); edge_index[1] indexes target nodes in [0, N_T)
    edge_index = jax.random.randint(k1, (2, E), 0, N_S, dtype=jnp.int32)
    x_s = jax.random.normal(k2, (N_S, D_IN), dtype=jnp.float32)
    x_t = jax.random.normal(k3, (N_T, D_IN), dtype=jnp.float32)
    # GCNConv linear weight (glorot init, no bias since bias=False)
    limit = float(np.sqrt(6.0 / (D_IN + D_OUT)))
    W = jax.random.uniform(k4, (D_IN, D_OUT), minval=-limit, maxval=limit, dtype=jnp.float32)
    return {"edge_index": edge_index, "x_s": x_s, "x_t": x_t, "W": W}


def reference(edge_index, x_s, x_t, W):
    # Faithful port of GraphConvolution.forward with dropout=0.0 (identity),
    # GCNConv(normalize=True, add_self_loops=True, bias=False), activation=ReLU.
    N_s = x_s.shape[0]
    N_t = x_t.shape[0]
    N = N_s + N_t
    # edge_index[1] += N_s (offset target node ids into concatenated node space)
    ei = edge_index.at[1].add(N_s)
    x = jnp.concatenate([x_s, x_t], axis=0)
    # gcn_norm: add self-loops, symmetric normalization
    loop = jnp.arange(N, dtype=ei.dtype)
    row = jnp.concatenate([ei[0], loop])
    col = jnp.concatenate([ei[1], loop])
    edge_weight = jnp.ones(row.shape[0], dtype=x.dtype)
    deg = jax.ops.segment_sum(edge_weight, col, num_segments=N)
    deg_inv_sqrt = jnp.where(deg > 0, deg ** -0.5, 0.0)
    norm = deg_inv_sqrt[row] * edge_weight * deg_inv_sqrt[col]
    # linear transform then message passing: scatter-add of normalized source features to targets
    xw = x @ W
    msg = norm[:, None] * xw[row]
    out = jax.ops.segment_sum(msg, col, num_segments=N)
    out = jax.nn.relu(out)
    return out[:N_s], out[N_s:]

if __name__ == "__main__":
    import jax
    _d = setup_inputs()
    print(jax.jit(kernel)(*tuple(_d.values())))

</pallas_src>

<mosaic_0001>
#map = affine_map<(d0, d1) -> (0, 0)>
#map1 = affine_map<(d0, d1) -> (0, 0, 0)>
module attributes {stable_mosaic.version = 14 : i64} {
  func.func @_edge_aggregate_body(%arg0: i32, %arg1: i32, %arg2: memref<5000x144xf32, #tpu.memory_space<hbm>>, %arg3: memref<2x2500x128xi32, #tpu.memory_space<hbm>>, %arg4: memref<313x144xf32, #tpu.memory_space<hbm>>, %arg5: memref<2x5008x144xf32, #tpu.memory_space<hbm>>, %arg6: memref<80x128xi32, #tpu.memory_space<vmem>>, %arg7: memref<80x128xi32, #tpu.memory_space<vmem>>, %arg8: memref<3x128x144xf32, #tpu.memory_space<vmem>>, %arg9: memref<5008x144xf32, #tpu.memory_space<vmem_shared>>, %arg10: memref<3x!tpu.dma_semaphore, #tpu.memory_space<semaphore_mem>>, %arg11: memref<3x!tpu.dma_semaphore, #tpu.memory_space<semaphore_mem>>) attributes {dimension_semantics = [#tpu.dimension_semantics<core_parallel>, #tpu.dimension_semantics<subcore_parallel>], iteration_bounds = array<i64: 2, 16>, scalar_prefetch = 0 : i64, scratch_operands = 6 : i64, tpu.core_type = #tpu.core_type<sc_vector_subcore>, window_params = [{transform_indices = #map}, {transform_indices = #map1}, {transform_indices = #map}, {transform_indices = #map1}]} {
    %mul3A = arith.constant 2 : i32
    %mul3A_0 = arith.muli %arg1, %mul3A : i32
    %add3A = arith.addi %mul3A_0, %arg0 : i32
    %mul3A_1 = arith.constant 80 : i32
    %mul3A_2 = arith.muli %add3A, %mul3A_1 : i32
    %eq3A = arith.constant 31 : i32
    %eq3A_3 = arith.cmpi eq, %add3A, %eq3A : i32
    %jit3A = arith.constant 10 : i32
    %jit3A_4 = arith.constant 40 : i32
    %select_n3A = arith.select %eq3A_3, %jit3A, %jit3A_4 : i32
    %min3A = arith.constant 2420 : i32
    %min3A_5 = arith.minsi %mul3A_2, %min3A : i32
    %sub3A = arith.subi %mul3A_2, %min3A_5 : i32
    %mul3A_6 = arith.constant 313 : i32
    %mul3A_7 = arith.muli %arg1, %mul3A_6 : i32
    "tpu.region"() ({
      %run_scoped3A_75 = tpu.sem_alloc : memref<!tpu.dma_semaphore, #tpu.memory_space<semaphore_mem>>
      %dma_start3A_76 = arith.constant 0 : i32
      %dma_start3A_77 = tpu.memref_slice %arg9[%mul3A_7, %dma_start3A_76] : memref<5008x144xf32, #tpu.memory_space<vmem_shared>> -> memref<313x144xf32, #tpu.memory_space<vmem_shared>>
      tpu.enqueue_dma source(%arg4 : memref<313x144xf32, #tpu.memory_space<hbm>>) target(%dma_start3A_77 : memref<313x144xf32, #tpu.memory_space<vmem_shared>>) target_semaphore(%run_scoped3A_75 : memref<!tpu.dma_semaphore, #tpu.memory_space<semaphore_mem>>)
      %dma_wait3A_78 = arith.constant 0 : i32
      %dma_wait3A_79 = tpu.memref_slice %arg9[%mul3A_7, %dma_wait3A_78] : memref<5008x144xf32, #tpu.memory_space<vmem_shared>> -> memref<313x144xf32, #tpu.memory_space<vmem_shared>>
      tpu.wait_dma2 semaphore(%run_scoped3A_75 : memref<!tpu.dma_semaphore, #tpu.memory_space<semaphore_mem>>) src(%arg4 : memref<313x144xf32, #tpu.memory_space<hbm>>) dst(%dma_wait3A_79 : memref<313x144xf32, #tpu.memory_space<vmem_shared>>)
      tpu.yield
    }) : () -> ()
    %run_scoped3A = arith.constant 0 : i32
    "tpu.region"() ({
      %run_scoped3A_75 = tpu.sem_alloc : memref<!tpu.dma_semaphore, #tpu.memory_space<semaphore_mem>>
      %dma_start3A_76 = arith.constant 0 : i32
      %dma_start3A_77 = tpu.memref_slice %arg3[%run_scoped3A, %min3A_5, %dma_start3A_76] : memref<2x2500x128xi32, #tpu.memory_space<hbm>> -> memref<1x80x128xi32, #tpu.memory_space<hbm>>
      %dma_start3A_78 = tpu.memref_squeeze %dma_start3A_77 : memref<1x80x128xi32, #tpu.memory_space<hbm>> -> memref<80x128xi32, #tpu.memory_space<hbm>>
      %dma_start3A_79 = arith.constant 0 : i32
      %dma_start3A_80 = tpu.memref_slice %arg3[%run_scoped3A, %min3A_5, %dma_start3A_79] : memref<2x2500x128xi32, #tpu.memory_space<hbm>> -> memref<1x80x128xi32, #tpu.memory_space<hbm>>
      %dma_start3A_81 = tpu.memref_squeeze %dma_start3A_80 : memref<1x80x128xi32, #tpu.memory_space<hbm>> -> memref<80x128xi32, #tpu.memory_space<hbm>>
      tpu.enqueue_dma source(%dma_start3A_81 : memref<80x128xi32, #tpu.memory_space<hbm>>) target(%arg6 : memref<80x128xi32, #tpu.memory_space<vmem>>) target_semaphore(%run_scoped3A_75 : memref<!tpu.dma_semaphore, #tpu.memory_space<semaphore_mem>>)
      %dma_wait3A_82 = arith.constant 0 : i32
      %dma_wait3A_83 = tpu.memref_slice %arg3[%run_scoped3A, %min3A_5, %dma_wait3A_82] : memref<2x2500x128xi32, #tpu.memory_space<hbm>> -> memref<1x80x128xi32, #tpu.memory_space<hbm>>
      %dma_wait3A_84 = tpu.memref_squeeze %dma_wait3A_83 : memref<1x80x128xi32, #tpu.memory_space<hbm>> -> memref<80x128xi32, #tpu.memory_space<hbm>>
      %dma_wait3A_85 = arith.constant 0 : i32
      %dma_wait3A_86 = tpu.memref_slice %arg3[%run_scoped3A, %min3A_5, %dma_wait3A_85] : memref<2x2500x128xi32, #tpu.memory_space<hbm>> -> memref<1x80x128xi32, #tpu.memory_space<hbm>>
      %dma_wait3A_87 = tpu.memref_squeeze %dma_wait3A_86 : memref<1x80x128xi32, #tpu.memory_space<hbm>> -> memref<80x128xi32, #tpu.memory_space<hbm>>
      tpu.wait_dma2 semaphore(%run_scoped3A_75 : memref<!tpu.dma_semaphore, #tpu.memory_space<semaphore_mem>>) src(%dma_wait3A_87 : memref<80x128xi32, #tpu.memory_space<hbm>>) dst(%arg6 : memref<80x128xi32, #tpu.memory_space<vmem>>)
      tpu.yield
    }) : () -> ()
    %run_scoped3A_8 = arith.constant 1 : i32
    "tpu.region"() ({
      %run_scoped3A_75 = tpu.sem_alloc : memref<!tpu.dma_semaphore, #tpu.memory_space<semaphore_mem>>
      %dma_start3A_76 = arith.constant 0 : i32
      %dma_start3A_77 = tpu.memref_slice %arg3[%run_scoped3A_8, %min3A_5, %dma_start3A_76] : memref<2x2500x128xi32, #tpu.memory_space<hbm>> -> memref<1x80x128xi32, #tpu.memory_space<hbm>>
      %dma_start3A_78 = tpu.memref_squeeze %dma_start3A_77 : memref<1x80x128xi32, #tpu.memory_space<hbm>> -> memref<80x128xi32, #tpu.memory_space<hbm>>
      %dma_start3A_79 = arith.constant 0 : i32
      %dma_start3A_80 = tpu.memref_slice %arg3[%run_scoped3A_8, %min3A_5, %dma_start3A_79] : memref<2x2500x128xi32, #tpu.memory_space<hbm>> -> memref<1x80x128xi32, #tpu.memory_space<hbm>>
      %dma_start3A_81 = tpu.memref_squeeze %dma_start3A_80 : memref<1x80x128xi32, #tpu.memory_space<hbm>> -> memref<80x128xi32, #tpu.memory_space<hbm>>
      tpu.enqueue_dma source(%dma_start3A_81 : memref<80x128xi32, #tpu.memory_space<hbm>>) target(%arg7 : memref<80x128xi32, #tpu.memory_space<vmem>>) target_semaphore(%run_scoped3A_75 : memref<!tpu.dma_semaphore, #tpu.memory_space<semaphore_mem>>)
      %dma_wait3A_82 = arith.constant 0 : i32
      %dma_wait3A_83 = tpu.memref_slice %arg3[%run_scoped3A_8, %min3A_5, %dma_wait3A_82] : memref<2x2500x128xi32, #tpu.memory_space<hbm>> -> memref<1x80x128xi32, #tpu.memory_space<hbm>>
      %dma_wait3A_84 = tpu.memref_squeeze %dma_wait3A_83 : memref<1x80x128xi32, #tpu.memory_space<hbm>> -> memref<80x128xi32, #tpu.memory_space<hbm>>
      %dma_wait3A_85 = arith.constant 0 : i32
      %dma_wait3A_86 = tpu.memref_slice %arg3[%run_scoped3A_8, %min3A_5, %dma_wait3A_85] : memref<2x2500x128xi32, #tpu.memory_space<hbm>> -> memref<1x80x128xi32, #tpu.memory_space<hbm>>
      %dma_wait3A_87 = tpu.memref_squeeze %dma_wait3A_86 : memref<1x80x128xi32, #tpu.memory_space<hbm>> -> memref<80x128xi32, #tpu.memory_space<hbm>>
      tpu.wait_dma2 semaphore(%run_scoped3A_75 : memref<!tpu.dma_semaphore, #tpu.memory_space<semaphore_mem>>) src(%dma_wait3A_87 : memref<80x128xi32, #tpu.memory_space<hbm>>) dst(%arg7 : memref<80x128xi32, #tpu.memory_space<vmem>>)
      tpu.yield
    }) : () -> ()
    %mul3A_9 = arith.constant 2 : i32
    %mul3A_10 = arith.muli %mul3A_9, %select_n3A : i32
    %barrier3A = arith.constant 0 : index
    tpu.barrier barrier_id(%barrier3A)
    %dma_start3A = arith.constant 0 : i32
    %dma_start3A_11 = arith.constant 0 : i32
    %dma_start3A_12 = arith.constant 0 : i32
    %dma_start3A_13 = arith.constant 0 : i32
    %dma_start3A_14 = tpu.memref_slice %arg8[%dma_start3A, %dma_start3A_12, %dma_start3A_13] : memref<3x128x144xf32, #tpu.memory_space<vmem>> -> memref<1x128x144xf32, #tpu.memory_space<vmem>>
    %dma_start3A_15 = tpu.memref_squeeze %dma_start3A_14 : memref<1x128x144xf32, #tpu.memory_space<vmem>> -> memref<128x144xf32, #tpu.memory_space<vmem>>
    %dma_start3A_16 = arith.constant 0 : i32
    %dma_start3A_17 = tpu.memref_slice %arg6[%sub3A, %dma_start3A_16] : memref<80x128xi32, #tpu.memory_space<vmem>> -> memref<1x128xi32, #tpu.memory_space<vmem>>
    %dma_start3A_18 = tpu.memref_squeeze %dma_start3A_17 : memref<1x128xi32, #tpu.memory_space<vmem>> -> memref<128xi32, #tpu.memory_space<vmem>>
    %dma_start3A_19 = arith.constant 0 : i32
    %dma_start3A_20 = arith.constant 0 : i32
    %dma_start3A_21 = tpu.memref_slice %arg2[%dma_start3A_19, %dma_start3A_20] : memref<5000x144xf32, #tpu.memory_space<hbm>> -> memref<5000x144xf32, #tpu.memory_space<hbm>>
    %dma_start3A_22 = tpu.memref_slice %arg10[%dma_start3A_11] : memref<3x!tpu.dma_semaphore, #tpu.memory_space<semaphore_mem>> -> memref<1x!tpu.dma_semaphore, #tpu.memory_space<semaphore_mem>>
    %dma_start3A_23 = tpu.memref_squeeze %dma_start3A_22 : memref<1x!tpu.dma_semaphore, #tpu.memory_space<semaphore_mem>> -> memref<!tpu.dma_semaphore, #tpu.memory_space<semaphore_mem>>
    tpu.enqueue_indirect_dma source(%dma_start3A_21 : memref<5000x144xf32, #tpu.memory_space<hbm>>) target(%dma_start3A_15 : memref<128x144xf32, #tpu.memory_space<vmem>>) offsets(%dma_start3A_18 : memref<128xi32, #tpu.memory_space<vmem>>) semaphore(%dma_start3A_23 : memref<!tpu.dma_semaphore, #tpu.memory_space<semaphore_mem>>)
    %add3A_24 = arith.constant 1 : i32
    %add3A_25 = arith.addi %sub3A, %add3A_24 : i32
    %dma_start3A_26 = arith.constant 1 : i32
    %dma_start3A_27 = arith.constant 1 : i32
    %dma_start3A_28 = arith.constant 0 : i32
    %dma_start3A_29 = arith.constant 0 : i32
    %dma_start3A_30 = tpu.memref_slice %arg8[%dma_start3A_26, %dma_start3A_28, %dma_start3A_29] : memref<3x128x144xf32, #tpu.memory_space<vmem>> -> memref<1x128x144xf32, #tpu.memory_space<vmem>>
    %dma_start3A_31 = tpu.memref_squeeze %dma_start3A_30 : memref<1x128x144xf32, #tpu.memory_space<vmem>> -> memref<128x144xf32, #tpu.memory_space<vmem>>
    %dma_start3A_32 = arith.constant 0 : i32
    %dma_start3A_33 = tpu.memref_slice %arg6[%add3A_25, %dma_start3A_32] : memref<80x128xi32, #tpu.memory_space<vmem>> -> memref<1x128xi32, #tpu.memory_space<vmem>>
    %dma_start3A_34 = tpu.memref_squeeze %dma_start3A_33 : memref<1x128xi32, #tpu.memory_space<vmem>> -> memref<128xi32, #tpu.memory_space<vmem>>
    %dma_start3A_35 = arith.constant 0 : i32
    %dma_start3A_36 = arith.constant 0 : i32
    %dma_start3A_37 = tpu.memref_slice %arg2[%dma_start3A_35, %dma_start3A_36] : memref<5000x144xf32, #tpu.memory_space<hbm>> -> memref<5000x144xf32, #tpu.memory_space<hbm>>
    %dma_start3A_38 = tpu.memref_slice %arg10[%dma_start3A_27] : memref<3x!tpu.dma_semaphore, #tpu.memory_space<semaphore_mem>> -> memref<1x!tpu.dma_semaphore, #tpu.memory_space<semaphore_mem>>
    %dma_start3A_39 = tpu.memref_squeeze %dma_start3A_38 : memref<1x!tpu.dma_semaphore, #tpu.memory_space<semaphore_mem>> -> memref<!tpu.dma_semaphore, #tpu.memory_space<semaphore_mem>>
    tpu.enqueue_indirect_dma source(%dma_start3A_37 : memref<5000x144xf32, #tpu.memory_space<hbm>>) target(%dma_start3A_31 : memref<128x144xf32, #tpu.memory_space<vmem>>) offsets(%dma_start3A_34 : memref<128xi32, #tpu.memory_space<vmem>>) semaphore(%dma_start3A_39 : memref<!tpu.dma_semaphore, #tpu.memory_space<semaphore_mem>>)
    %while3A = arith.constant 0 : i32
    %while3A_40 = arith.constant 0 : i32
    %while3A_41 = arith.subi %select_n3A, %while3A_40 : i32
    %while3A_42 = arith.addi %while3A_40, %while3A_41 : i32
    %while3A_43 = arith.constant 1 : i32
    %while3A_44 = arith.divsi %while3A_41, %while3A_43 : i32
    %while3A_45 = arith.muli %while3A_44, %while3A_43 : i32
    %while3A_46 = arith.addi %while3A_40, %while3A_45 : i32
    %while3A_47 = arith.constant 1 : i32
    scf.for %while3A_75 = %while3A_40 to %while3A_46 step %while3A_47  : i32 {
      %mul3A_76 = arith.constant 2 : i32
      %mul3A_77 = arith.muli %mul3A_76, %while3A_75 : i32
      %rem3A_78 = arith.constant 3 : i32
      %rem3A_79 = arith.remsi %mul3A_77, %rem3A_78 : i32
      %add3A_80 = arith.constant 2 : i32
      %add3A_81 = arith.addi %mul3A_77, %add3A_80 : i32
      %rem3A_82 = arith.constant 3 : i32
      %rem3A_83 = arith.remsi %add3A_81, %rem3A_82 : i32
      %add3A_84 = arith.addi %mul3A_77, %sub3A : i32
      %dma_wait3A_85 = arith.constant 0 : i32
      %dma_wait3A_86 = arith.constant 0 : i32
      %dma_wait3A_87 = tpu.memref_slice %arg8[%rem3A_79, %dma_wait3A_85, %dma_wait3A_86] : memref<3x128x144xf32, #tpu.memory_space<vmem>> -> memref<1x128x144xf32, #tpu.memory_space<vmem>>
      %dma_wait3A_88 = tpu.memref_squeeze %dma_wait3A_87 : memref<1x128x144xf32, #tpu.memory_space<vmem>> -> memref<128x144xf32, #tpu.memory_space<vmem>>
      %dma_wait3A_89 = arith.constant 0 : i32
      %dma_wait3A_90 = tpu.memref_slice %arg6[%add3A_84, %dma_wait3A_89] : memref<80x128xi32, #tpu.memory_space<vmem>> -> memref<1x128xi32, #tpu.memory_space<vmem>>
      %dma_wait3A_91 = tpu.memref_squeeze %dma_wait3A_90 : memref<1x128xi32, #tpu.memory_space<vmem>> -> memref<128xi32, #tpu.memory_space<vmem>>
      %dma_wait3A_92 = arith.constant 0 : i32
      %dma_wait3A_93 = arith.constant 0 : i32
      %dma_wait3A_94 = tpu.memref_slice %arg2[%dma_wait3A_92, %dma_wait3A_93] : memref<5000x144xf32, #tpu.memory_space<hbm>> -> memref<5000x144xf32, #tpu.memory_space<hbm>>
      %dma_wait3A_95 = tpu.memref_slice %arg10[%rem3A_79] : memref<3x!tpu.dma_semaphore, #tpu.memory_space<semaphore_mem>> -> memref<1x!tpu.dma_semaphore, #tpu.memory_space<semaphore_mem>>
      %dma_wait3A_96 = tpu.memref_squeeze %dma_wait3A_95 : memref<1x!tpu.dma_semaphore, #tpu.memory_space<semaphore_mem>> -> memref<!tpu.dma_semaphore, #tpu.memory_space<semaphore_mem>>
      tpu.wait_indirect_dma semaphore(%dma_wait3A_96 : memref<!tpu.dma_semaphore, #tpu.memory_space<semaphore_mem>>) src(%dma_wait3A_94 : memref<5000x144xf32, #tpu.memory_space<hbm>>) dst(%dma_wait3A_88 : memref<128x144xf32, #tpu.memory_space<vmem>>)
      %dma_start3A_97 = arith.constant 0 : i32
      %dma_start3A_98 = arith.constant 0 : i32
      %dma_start3A_99 = tpu.memref_slice %arg8[%rem3A_79, %dma_start3A_97, %dma_start3A_98] : memref<3x128x144xf32, #tpu.memory_space<vmem>> -> memref<1x128x144xf32, #tpu.memory_space<vmem>>
      %dma_start3A_100 = tpu.memref_squeeze %dma_start3A_99 : memref<1x128x144xf32, #tpu.memory_space<vmem>> -> memref<128x144xf32, #tpu.memory_space<vmem>>
      %dma_start3A_101 = arith.constant 0 : i32
      %dma_start3A_102 = tpu.memref_slice %arg7[%add3A_84, %dma_start3A_101] : memref<80x128xi32, #tpu.memory_space<vmem>> -> memref<1x128xi32, #tpu.memory_space<vmem>>
      %dma_start3A_103 = tpu.memref_squeeze %dma_start3A_102 : memref<1x128xi32, #tpu.memory_space<vmem>> -> memref<128xi32, #tpu.memory_space<vmem>>
      %dma_start3A_104 = arith.constant 0 : i32
      %dma_start3A_105 = arith.constant 0 : i32
      %dma_start3A_106 = tpu.memref_slice %arg9[%dma_start3A_104, %dma_start3A_105] : memref<5008x144xf32, #tpu.memory_space<vmem_shared>> -> memref<5008x144xf32, #tpu.memory_space<vmem_shared>>
      %dma_start3A_107 = tpu.memref_slice %arg11[%rem3A_79] : memref<3x!tpu.dma_semaphore, #tpu.memory_space<semaphore_mem>> -> memref<1x!tpu.dma_semaphore, #tpu.memory_space<semaphore_mem>>
      %dma_start3A_108 = tpu.memref_squeeze %dma_start3A_107 : memref<1x!tpu.dma_semaphore, #tpu.memory_space<semaphore_mem>> -> memref<!tpu.dma_semaphore, #tpu.memory_space<semaphore_mem>>
      tpu.enqueue_indirect_dma source(%dma_start3A_100 : memref<128x144xf32, #tpu.memory_space<vmem>>) target(%dma_start3A_106 : memref<5008x144xf32, #tpu.memory_space<vmem_shared>>) offsets(%dma_start3A_103 : memref<128xi32, #tpu.memory_space<vmem>>) semaphore(%dma_start3A_108 : memref<!tpu.dma_semaphore, #tpu.memory_space<semaphore_mem>>) {add = true}
      %ge3A = arith.constant 1 : i32
      %ge3A_109 = arith.cmpi sge, %mul3A_77, %ge3A : i32
      %convert_element_type3A = arith.extui %ge3A_109 : i1 to i32
      %cond3A = arith.constant 0 : i32
      %cond3A_110 = arith.cmpi ne, %convert_element_type3A, %cond3A : i32
      scf.if %cond3A_110 {
        %sub3A_158 = arith.constant 1 : i32
        %sub3A_159 = arith.subi %add3A_84, %sub3A_158 : i32
        %dma_wait3A_160 = arith.constant 0 : i32
        %dma_wait3A_161 = arith.constant 0 : i32
        %dma_wait3A_162 = tpu.memref_slice %arg8[%rem3A_83, %dma_wait3A_160, %dma_wait3A_161] : memref<3x128x144xf32, #tpu.memory_space<vmem>> -> memref<1x128x144xf32, #tpu.memory_space<vmem>>
        %dma_wait3A_163 = tpu.memref_squeeze %dma_wait3A_162 : memref<1x128x144xf32, #tpu.memory_space<vmem>> -> memref<128x144xf32, #tpu.memory_space<vmem>>
        %dma_wait3A_164 = arith.constant 0 : i32
        %dma_wait3A_165 = tpu.memref_slice %arg7[%sub3A_159, %dma_wait3A_164] : memref<80x128xi32, #tpu.memory_space<vmem>> -> memref<1x128xi32, #tpu.memory_space<vmem>>
        %dma_wait3A_166 = tpu.memref_squeeze %dma_wait3A_165 : memref<1x128xi32, #tpu.memory_space<vmem>> -> memref<128xi32, #tpu.memory_space<vmem>>
        %dma_wait3A_167 = arith.constant 0 : i32
        %dma_wait3A_168 = arith.constant 0 : i32
        %dma_wait3A_169 = tpu.memref_slice %arg9[%dma_wait3A_167, %dma_wait3A_168] : memref<5008x144xf32, #tpu.memory_space<vmem_shared>> -> memref<5008x144xf32, #tpu.memory_space<vmem_shared>>
        %dma_wait3A_170 = tpu.memref_slice %arg11[%rem3A_83] : memref<3x!tpu.dma_semaphore, #tpu.memory_space<semaphore_mem>> -> memref<1x!tpu.dma_semaphore, #tpu.memory_space<semaphore_mem>>
        %dma_wait3A_171 = tpu.memref_squeeze %dma_wait3A_170 : memref<1x!tpu.dma_semaphore, #tpu.memory_space<semaphore_mem>> -> memref<!tpu.dma_semaphore, #tpu.memory_space<semaphore_mem>>
        tpu.wait_indirect_dma semaphore(%dma_wait3A_171 : memref<!tpu.dma_semaphore, #tpu.memory_space<semaphore_mem>>) src(%dma_wait3A_163 : memref<128x144xf32, #tpu.memory_space<vmem>>) dst(%dma_wait3A_169 : memref<5008x144xf32, #tpu.memory_space<vmem_shared>>)
      } else {
      }
      %add3A_111 = arith.constant 2 : i32
      %add3A_112 = arith.addi %mul3A_77, %add3A_111 : i32
      %lt3A = arith.cmpi slt, %add3A_112, %mul3A_10 : i32
      %convert_element_type3A_113 = arith.extui %lt3A : i1 to i32
      %cond3A_114 = arith.constant 0 : i32
      %cond3A_115 = arith.cmpi ne, %convert_element_type3A_113, %cond3A_114 : i32
      scf.if %cond3A_115 {
        %add3A_158 = arith.constant 2 : i32
        %add3A_159 = arith.addi %add3A_84, %add3A_158 : i32
        %dma_start3A_160 = arith.constant 0 : i32
        %dma_start3A_161 = arith.constant 0 : i32
        %dma_start3A_162 = tpu.memref_slice %arg8[%rem3A_83, %dma_start3A_160, %dma_start3A_161] : memref<3x128x144xf32, #tpu.memory_space<vmem>> -> memref<1x128x144xf32, #tpu.memory_space<vmem>>
        %dma_start3A_163 = tpu.memref_squeeze %dma_start3A_162 : memref<1x128x144xf32, #tpu.memory_space<vmem>> -> memref<128x144xf32, #tpu.memory_space<vmem>>
        %dma_start3A_164 = arith.constant 0 : i32
        %dma_start3A_165 = tpu.memref_slice %arg6[%add3A_159, %dma_start3A_164] : memref<80x128xi32, #tpu.memory_space<vmem>> -> memref<1x128xi32, #tpu.memory_space<vmem>>
        %dma_start3A_166 = tpu.memref_squeeze %dma_start3A_165 : memref<1x128xi32, #tpu.memory_space<vmem>> -> memref<128xi32, #tpu.memory_space<vmem>>
        %dma_start3A_167 = arith.constant 0 : i32
        %dma_start3A_168 = arith.constant 0 : i32
        %dma_start3A_169 = tpu.memref_slice %arg2[%dma_start3A_167, %dma_start3A_168] : memref<5000x144xf32, #tpu.memory_space<hbm>> -> memref<5000x144xf32, #tpu.memory_space<hbm>>
        %dma_start3A_170 = tpu.memref_slice %arg10[%rem3A_83] : memref<3x!tpu.dma_semaphore, #tpu.memory_space<semaphore_mem>> -> memref<1x!tpu.dma_semaphore, #tpu.memory_space<semaphore_mem>>
        %dma_start3A_171 = tpu.memref_squeeze %dma_start3A_170 : memref<1x!tpu.dma_semaphore, #tpu.memory_space<semaphore_mem>> -> memref<!tpu.dma_semaphore, #tpu.memory_space<semaphore_mem>>
        tpu.enqueue_indirect_dma source(%dma_start3A_169 : memref<5000x144xf32, #tpu.memory_space<hbm>>) target(%dma_start3A_163 : memref<128x144xf32, #tpu.memory_space<vmem>>) offsets(%dma_start3A_166 : memref<128xi32, #tpu.memory_space<vmem>>) semaphore(%dma_start3A_171 : memref<!tpu.dma_semaphore, #tpu.memory_space<semaphore_mem>>)
      } else {
      }
      %add3A_116 = arith.constant 1 : i32
      %add3A_117 = arith.addi %mul3A_77, %add3A_116 : i32
      %add3A_118 = arith.constant 1 : i32
      %add3A_119 = arith.addi %mul3A_77, %add3A_118 : i32
      %rem3A_120 = arith.constant 3 : i32
      %rem3A_121 = arith.remsi %add3A_119, %rem3A_120 : i32
      %add3A_122 = arith.addi %add3A_117, %sub3A : i32
      %dma_wait3A_123 = arith.constant 0 : i32
      %dma_wait3A_124 = arith.constant 0 : i32
      %dma_wait3A_125 = tpu.memref_slice %arg8[%rem3A_121, %dma_wait3A_123, %dma_wait3A_124] : memref<3x128x144xf32, #tpu.memory_space<vmem>> -> memref<1x128x144xf32, #tpu.memory_space<vmem>>
      %dma_wait3A_126 = tpu.memref_squeeze %dma_wait3A_125 : memref<1x128x144xf32, #tpu.memory_space<vmem>> -> memref<128x144xf32, #tpu.memory_space<vmem>>
      %dma_wait3A_127 = arith.constant 0 : i32
      %dma_wait3A_128 = tpu.memref_slice %arg6[%add3A_122, %dma_wait3A_127] : memref<80x128xi32, #tpu.memory_space<vmem>> -> memref<1x128xi32, #tpu.memory_space<vmem>>
      %dma_wait3A_129 = tpu.memref_squeeze %dma_wait3A_128 : memref<1x128xi32, #tpu.memory_space<vmem>> -> memref<128xi32, #tpu.memory_space<vmem>>
      %dma_wait3A_130 = arith.constant 0 : i32
      %dma_wait3A_131 = arith.constant 0 : i32
      %dma_wait3A_132 = tpu.memref_slice %arg2[%dma_wait3A_130, %dma_wait3A_131] : memref<5000x144xf32, #tpu.memory_space<hbm>> -> memref<5000x144xf32, #tpu.memory_space<hbm>>
      %dma_wait3A_133 = tpu.memref_slice %arg10[%rem3A_121] : memref<3x!tpu.dma_semaphore, #tpu.memory_space<semaphore_mem>> -> memref<1x!tpu.dma_semaphore, #tpu.memory_space<semaphore_mem>>
      %dma_wait3A_134 = tpu.memref_squeeze %dma_wait3A_133 : memref<1x!tpu.dma_semaphore, #tpu.memory_space<semaphore_mem>> -> memref<!tpu.dma_semaphore, #tpu.memory_space<semaphore_mem>>
      tpu.wait_indirect_dma semaphore(%dma_wait3A_134 : memref<!tpu.dma_semaphore, #tpu.memory_space<semaphore_mem>>) src(%dma_wait3A_132 : memref<5000x144xf32, #tpu.memory_space<hbm>>) dst(%dma_wait3A_126 : memref<128x144xf32, #tpu.memory_space<vmem>>)
      %dma_start3A_135 = arith.constant 0 : i32
      %dma_start3A_136 = arith.constant 0 : i32
      %dma_start3A_137 = tpu.memref_slice %arg8[%rem3A_121, %dma_start3A_135, %dma_start3A_136] : memref<3x128x144xf32, #tpu.memory_space<vmem>> -> memref<1x128x144xf32, #tpu.memory_space<vmem>>
      %dma_start3A_138 = tpu.memref_squeeze %dma_start3A_137 : memref<1x128x144xf32, #tpu.memory_space<vmem>> -> memref<128x144xf32, #tpu.memory_space<vmem>>
      %dma_start3A_139 = arith.constant 0 : i32
      %dma_start3A_140 = tpu.memref_slice %arg7[%add3A_122, %dma_start3A_139] : memref<80x128xi32, #tpu.memory_space<vmem>> -> memref<1x128xi32, #tpu.memory_space<vmem>>
      %dma_start3A_141 = tpu.memref_squeeze %dma_start3A_140 : memref<1x128xi32, #tpu.memory_space<vmem>> -> memref<128xi32, #tpu.memory_space<vmem>>
      %dma_start3A_142 = arith.constant 0 : i32
      %dma_start3A_143 = arith.constant 0 : i32
      %dma_start3A_144 = tpu.memref_slice %arg9[%dma_start3A_142, %dma_start3A_143] : memref<5008x144xf32, #tpu.memory_space<vmem_shared>> -> memref<5008x144xf32, #tpu.memory_space<vmem_shared>>
      %dma_start3A_145 = tpu.memref_slice %arg11[%rem3A_121] : memref<3x!tpu.dma_semaphore, #tpu.memory_space<semaphore_mem>> -> memref<1x!tpu.dma_semaphore, #tpu.memory_space<semaphore_mem>>
      %dma_start3A_146 = tpu.memref_squeeze %dma_start3A_145 : memref<1x!tpu.dma_semaphore, #tpu.memory_space<semaphore_mem>> -> memref<!tpu.dma_semaphore, #tpu.memory_space<semaphore_mem>>
      tpu.enqueue_indirect_dma source(%dma_start3A_138 : memref<128x144xf32, #tpu.memory_space<vmem>>) target(%dma_start3A_144 : memref<5008x144xf32, #tpu.memory_space<vmem_shared>>) offsets(%dma_start3A_141 : memref<128xi32, #tpu.memory_space<vmem>>) semaphore(%dma_start3A_146 : memref<!tpu.dma_semaphore, #tpu.memory_space<semaphore_mem>>) {add = true}
      %ge3A_147 = arith.constant 1 : i32
      %ge3A_148 = arith.cmpi sge, %add3A_117, %ge3A_147 : i32
      %convert_element_type3A_149 = arith.extui %ge3A_148 : i1 to i32
      %cond3A_150 = arith.constant 0 : i32
      %cond3A_151 = arith.cmpi ne, %convert_element_type3A_149, %cond3A_150 : i32
      scf.if %cond3A_151 {
        %sub3A_158 = arith.constant 1 : i32
        %sub3A_159 = arith.subi %add3A_122, %sub3A_158 : i32
        %dma_wait3A_160 = arith.constant 0 : i32
        %dma_wait3A_161 = arith.constant 0 : i32
        %dma_wait3A_162 = tpu.memref_slice %arg8[%rem3A_79, %dma_wait3A_160, %dma_wait3A_161] : memref<3x128x144xf32, #tpu.memory_space<vmem>> -> memref<1x128x144xf32, #tpu.memory_space<vmem>>
        %dma_wait3A_163 = tpu.memref_squeeze %dma_wait3A_162 : memref<1x128x144xf32, #tpu.memory_space<vmem>> -> memref<128x144xf32, #tpu.memory_space<vmem>>
        %dma_wait3A_164 = arith.constant 0 : i32
        %dma_wait3A_165 = tpu.memref_slice %arg7[%sub3A_159, %dma_wait3A_164] : memref<80x128xi32, #tpu.memory_space<vmem>> -> memref<1x128xi32, #tpu.memory_space<vmem>>
        %dma_wait3A_166 = tpu.memref_squeeze %dma_wait3A_165 : memref<1x128xi32, #tpu.memory_space<vmem>> -> memref<128xi32, #tpu.memory_space<vmem>>
        %dma_wait3A_167 = arith.constant 0 : i32
        %dma_wait3A_168 = arith.constant 0 : i32
        %dma_wait3A_169 = tpu.memref_slice %arg9[%dma_wait3A_167, %dma_wait3A_168] : memref<5008x144xf32, #tpu.memory_space<vmem_shared>> -> memref<5008x144xf32, #tpu.memory_space<vmem_shared>>
        %dma_wait3A_170 = tpu.memref_slice %arg11[%rem3A_79] : memref<3x!tpu.dma_semaphore, #tpu.memory_space<semaphore_mem>> -> memref<1x!tpu.dma_semaphore, #tpu.memory_space<semaphore_mem>>
        %dma_wait3A_171 = tpu.memref_squeeze %dma_wait3A_170 : memref<1x!tpu.dma_semaphore, #tpu.memory_space<semaphore_mem>> -> memref<!tpu.dma_semaphore, #tpu.memory_space<semaphore_mem>>
        tpu.wait_indirect_dma semaphore(%dma_wait3A_171 : memref<!tpu.dma_semaphore, #tpu.memory_space<semaphore_mem>>) src(%dma_wait3A_163 : memref<128x144xf32, #tpu.memory_space<vmem>>) dst(%dma_wait3A_169 : memref<5008x144xf32, #tpu.memory_space<vmem_shared>>)
      } else {
      }
      %add3A_152 = arith.constant 2 : i32
      %add3A_153 = arith.addi %add3A_117, %add3A_152 : i32
      %lt3A_154 = arith.cmpi slt, %add3A_153, %mul3A_10 : i32
      %convert_element_type3A_155 = arith.extui %lt3A_154 : i1 to i32
      %cond3A_156 = arith.constant 0 : i32
      %cond3A_157 = arith.cmpi ne, %convert_element_type3A_155, %cond3A_156 : i32
      scf.if %cond3A_157 {
        %add3A_158 = arith.constant 2 : i32
        %add3A_159 = arith.addi %add3A_122, %add3A_158 : i32
        %dma_start3A_160 = arith.constant 0 : i32
        %dma_start3A_161 = arith.constant 0 : i32
        %dma_start3A_162 = tpu.memref_slice %arg8[%rem3A_79, %dma_start3A_160, %dma_start3A_161] : memref<3x128x144xf32, #tpu.memory_space<vmem>> -> memref<1x128x144xf32, #tpu.memory_space<vmem>>
        %dma_start3A_163 = tpu.memref_squeeze %dma_start3A_162 : memref<1x128x144xf32, #tpu.memory_space<vmem>> -> memref<128x144xf32, #tpu.memory_space<vmem>>
        %dma_start3A_164 = arith.constant 0 : i32
        %dma_start3A_165 = tpu.memref_slice %arg6[%add3A_159, %dma_start3A_164] : memref<80x128xi32, #tpu.memory_space<vmem>> -> memref<1x128xi32, #tpu.memory_space<vmem>>
        %dma_start3A_166 = tpu.memref_squeeze %dma_start3A_165 : memref<1x128xi32, #tpu.memory_space<vmem>> -> memref<128xi32, #tpu.memory_space<vmem>>
        %dma_start3A_167 = arith.constant 0 : i32
        %dma_start3A_168 = arith.constant 0 : i32
        %dma_start3A_169 = tpu.memref_slice %arg2[%dma_start3A_167, %dma_start3A_168] : memref<5000x144xf32, #tpu.memory_space<hbm>> -> memref<5000x144xf32, #tpu.memory_space<hbm>>
        %dma_start3A_170 = tpu.memref_slice %arg10[%rem3A_79] : memref<3x!tpu.dma_semaphore, #tpu.memory_space<semaphore_mem>> -> memref<1x!tpu.dma_semaphore, #tpu.memory_space<semaphore_mem>>
        %dma_start3A_171 = tpu.memref_squeeze %dma_start3A_170 : memref<1x!tpu.dma_semaphore, #tpu.memory_space<semaphore_mem>> -> memref<!tpu.dma_semaphore, #tpu.memory_space<semaphore_mem>>
        tpu.enqueue_indirect_dma source(%dma_start3A_169 : memref<5000x144xf32, #tpu.memory_space<hbm>>) target(%dma_start3A_163 : memref<128x144xf32, #tpu.memory_space<vmem>>) offsets(%dma_start3A_166 : memref<128xi32, #tpu.memory_space<vmem>>) semaphore(%dma_start3A_171 : memref<!tpu.dma_semaphore, #tpu.memory_space<semaphore_mem>>)
      } else {
      }
    }
    %while3A_48 = arith.constant 1 : i32
    scf.for %while3A_75 = %while3A_46 to %while3A_42 step %while3A_48  : i32 {
      %mul3A_76 = arith.constant 2 : i32
      %mul3A_77 = arith.muli %mul3A_76, %while3A_75 : i32
      %rem3A_78 = arith.constant 3 : i32
      %rem3A_79 = arith.remsi %mul3A_77, %rem3A_78 : i32
      %add3A_80 = arith.constant 2 : i32
      %add3A_81 = arith.addi %mul3A_77, %add3A_80 : i32
      %rem3A_82 = arith.constant 3 : i32
      %rem3A_83 = arith.remsi %add3A_81, %rem3A_82 : i32
      %add3A_84 = arith.addi %mul3A_77, %sub3A : i32
      %dma_wait3A_85 = arith.constant 0 : i32
      %dma_wait3A_86 = arith.constant 0 : i32
      %dma_wait3A_87 = tpu.memref_slice %arg8[%rem3A_79, %dma_wait3A_85, %dma_wait3A_86] : memref<3x128x144xf32, #tpu.memory_space<vmem>> -> memref<1x128x144xf32, #tpu.memory_space<vmem>>
      %dma_wait3A_88 = tpu.memref_squeeze %dma_wait3A_87 : memref<1x128x144xf32, #tpu.memory_space<vmem>> -> memref<128x144xf32, #tpu.memory_space<vmem>>
      %dma_wait3A_89 = arith.constant 0 : i32
      %dma_wait3A_90 = tpu.memref_slice %arg6[%add3A_84, %dma_wait3A_89] : memref<80x128xi32, #tpu.memory_space<vmem>> -> memref<1x128xi32, #tpu.memory_space<vmem>>
      %dma_wait3A_91 = tpu.memref_squeeze %dma_wait3A_90 : memref<1x128xi32, #tpu.memory_space<vmem>> -> memref<128xi32, #tpu.memory_space<vmem>>
      %dma_wait3A_92 = arith.constant 0 : i32
      %dma_wait3A_93 = arith.constant 0 : i32
      %dma_wait3A_94 = tpu.memref_slice %arg2[%dma_wait3A_92, %dma_wait3A_93] : memref<5000x144xf32, #tpu.memory_space<hbm>> -> memref<5000x144xf32, #tpu.memory_space<hbm>>
      %dma_wait3A_95 = tpu.memref_slice %arg10[%rem3A_79] : memref<3x!tpu.dma_semaphore, #tpu.memory_space<semaphore_mem>> -> memref<1x!tpu.dma_semaphore, #tpu.memory_space<semaphore_mem>>
      %dma_wait3A_96 = tpu.memref_squeeze %dma_wait3A_95 : memref<1x!tpu.dma_semaphore, #tpu.memory_space<semaphore_mem>> -> memref<!tpu.dma_semaphore, #tpu.memory_space<semaphore_mem>>
      tpu.wait_indirect_dma semaphore(%dma_wait3A_96 : memref<!tpu.dma_semaphore, #tpu.memory_space<semaphore_mem>>) src(%dma_wait3A_94 : memref<5000x144xf32, #tpu.memory_space<hbm>>) dst(%dma_wait3A_88 : memref<128x144xf32, #tpu.memory_space<vmem>>)
      %dma_start3A_97 = arith.constant 0 : i32
      %dma_start3A_98 = arith.constant 0 : i32
      %dma_start3A_99 = tpu.memref_slice %arg8[%rem3A_79, %dma_start3A_97, %dma_start3A_98] : memref<3x128x144xf32, #tpu.memory_space<vmem>> -> memref<1x128x144xf32, #tpu.memory_space<vmem>>
      %dma_start3A_100 = tpu.memref_squeeze %dma_start3A_99 : memref<1x128x144xf32, #tpu.memory_space<vmem>> -> memref<128x144xf32, #tpu.memory_space<vmem>>
      %dma_start3A_101 = arith.constant 0 : i32
      %dma_start3A_102 = tpu.memref_slice %arg7[%add3A_84, %dma_start3A_101] : memref<80x128xi32, #tpu.memory_space<vmem>> -> memref<1x128xi32, #tpu.memory_space<vmem>>
      %dma_start3A_103 = tpu.memref_squeeze %dma_start3A_102 : memref<1x128xi32, #tpu.memory_space<vmem>> -> memref<128xi32, #tpu.memory_space<vmem>>
      %dma_start3A_104 = arith.constant 0 : i32
      %dma_start3A_105 = arith.constant 0 : i32
      %dma_start3A_106 = tpu.memref_slice %arg9[%dma_start3A_104, %dma_start3A_105] : memref<5008x144xf32, #tpu.memory_space<vmem_shared>> -> memref<5008x144xf32, #tpu.memory_space<vmem_shared>>
      %dma_start3A_107 = tpu.memref_slice %arg11[%rem3A_79] : memref<3x!tpu.dma_semaphore, #tpu.memory_space<semaphore_mem>> -> memref<1x!tpu.dma_semaphore, #tpu.memory_space<semaphore_mem>>
      %dma_start3A_108 = tpu.memref_squeeze %dma_start3A_107 : memref<1x!tpu.dma_semaphore, #tpu.memory_space<semaphore_mem>> -> memref<!tpu.dma_semaphore, #tpu.memory_space<semaphore_mem>>
      tpu.enqueue_indirect_dma source(%dma_start3A_100 : memref<128x144xf32, #tpu.memory_space<vmem>>) target(%dma_start3A_106 : memref<5008x144xf32, #tpu.memory_space<vmem_shared>>) offsets(%dma_start3A_103 : memref<128xi32, #tpu.memory_space<vmem>>) semaphore(%dma_start3A_108 : memref<!tpu.dma_semaphore, #tpu.memory_space<semaphore_mem>>) {add = true}
      %ge3A = arith.constant 1 : i32
      %ge3A_109 = arith.cmpi sge, %mul3A_77, %ge3A : i32
      %convert_element_type3A = arith.extui %ge3A_109 : i1 to i32
      %cond3A = arith.constant 0 : i32
      %cond3A_110 = arith.cmpi ne, %convert_element_type3A, %cond3A : i32
      scf.if %cond3A_110 {
        %sub3A_158 = arith.constant 1 : i32
        %sub3A_159 = arith.subi %add3A_84, %sub3A_158 : i32
        %dma_wait3A_160 = arith.constant 0 : i32
        %dma_wait3A_161 = arith.constant 0 : i32
        %dma_wait3A_162 = tpu.memref_slice %arg8[%rem3A_83, %dma_wait3A_160, %dma_wait3A_161] : memref<3x128x144xf32, #tpu.memory_space<vmem>> -> memref<1x128x144xf32, #tpu.memory_space<vmem>>
        %dma_wait3A_163 = tpu.memref_squeeze %dma_wait3A_162 : memref<1x128x144xf32, #tpu.memory_space<vmem>> -> memref<128x144xf32, #tpu.memory_space<vmem>>
        %dma_wait3A_164 = arith.constant 0 : i32
        %dma_wait3A_165 = tpu.memref_slice %arg7[%sub3A_159, %dma_wait3A_164] : memref<80x128xi32, #tpu.memory_space<vmem>> -> memref<1x128xi32, #tpu.memory_space<vmem>>
        %dma_wait3A_166 = tpu.memref_squeeze %dma_wait3A_165 : memref<1x128xi32, #tpu.memory_space<vmem>> -> memref<128xi32, #tpu.memory_space<vmem>>
        %dma_wait3A_167 = arith.constant 0 : i32
        %dma_wait3A_168 = arith.constant 0 : i32
        %dma_wait3A_169 = tpu.memref_slice %arg9[%dma_wait3A_167, %dma_wait3A_168] : memref<5008x144xf32, #tpu.memory_space<vmem_shared>> -> memref<5008x144xf32, #tpu.memory_space<vmem_shared>>
        %dma_wait3A_170 = tpu.memref_slice %arg11[%rem3A_83] : memref<3x!tpu.dma_semaphore, #tpu.memory_space<semaphore_mem>> -> memref<1x!tpu.dma_semaphore, #tpu.memory_space<semaphore_mem>>
        %dma_wait3A_171 = tpu.memref_squeeze %dma_wait3A_170 : memref<1x!tpu.dma_semaphore, #tpu.memory_space<semaphore_mem>> -> memref<!tpu.dma_semaphore, #tpu.memory_space<semaphore_mem>>
        tpu.wait_indirect_dma semaphore(%dma_wait3A_171 : memref<!tpu.dma_semaphore, #tpu.memory_space<semaphore_mem>>) src(%dma_wait3A_163 : memref<128x144xf32, #tpu.memory_space<vmem>>) dst(%dma_wait3A_169 : memref<5008x144xf32, #tpu.memory_space<vmem_shared>>)
      } else {
      }
      %add3A_111 = arith.constant 2 : i32
      %add3A_112 = arith.addi %mul3A_77, %add3A_111 : i32
      %lt3A = arith.cmpi slt, %add3A_112, %mul3A_10 : i32
      %convert_element_type3A_113 = arith.extui %lt3A : i1 to i32
      %cond3A_114 = arith.constant 0 : i32
      %cond3A_115 = arith.cmpi ne, %convert_element_type3A_113, %cond3A_114 : i32
      scf.if %cond3A_115 {
        %add3A_158 = arith.constant 2 : i32
        %add3A_159 = arith.addi %add3A_84, %add3A_158 : i32
        %dma_start3A_160 = arith.constant 0 : i32
        %dma_start3A_161 = arith.constant 0 : i32
        %dma_start3A_162 = tpu.memref_slice %arg8[%rem3A_83, %dma_start3A_160, %dma_start3A_161] : memref<3x128x144xf32, #tpu.memory_space<vmem>> -> memref<1x128x144xf32, #tpu.memory_space<vmem>>
        %dma_start3A_163 = tpu.memref_squeeze %dma_start3A_162 : memref<1x128x144xf32, #tpu.memory_space<vmem>> -> memref<128x144xf32, #tpu.memory_space<vmem>>
        %dma_start3A_164 = arith.constant 0 : i32
        %dma_start3A_165 = tpu.memref_slice %arg6[%add3A_159, %dma_start3A_164] : memref<80x128xi32, #tpu.memory_space<vmem>> -> memref<1x128xi32, #tpu.memory_space<vmem>>
        %dma_start3A_166 = tpu.memref_squeeze %dma_start3A_165 : memref<1x128xi32, #tpu.memory_space<vmem>> -> memref<128xi32, #tpu.memory_space<vmem>>
        %dma_start3A_167 = arith.constant 0 : i32
        %dma_start3A_168 = arith.constant 0 : i32
        %dma_start3A_169 = tpu.memref_slice %arg2[%dma_start3A_167, %dma_start3A_168] : memref<5000x144xf32, #tpu.memory_space<hbm>> -> memref<5000x144xf32, #tpu.memory_space<hbm>>
        %dma_start3A_170 = tpu.memref_slice %arg10[%rem3A_83] : memref<3x!tpu.dma_semaphore, #tpu.memory_space<semaphore_mem>> -> memref<1x!tpu.dma_semaphore, #tpu.memory_space<semaphore_mem>>
        %dma_start3A_171 = tpu.memref_squeeze %dma_start3A_170 : memref<1x!tpu.dma_semaphore, #tpu.memory_space<semaphore_mem>> -> memref<!tpu.dma_semaphore, #tpu.memory_space<semaphore_mem>>
        tpu.enqueue_indirect_dma source(%dma_start3A_169 : memref<5000x144xf32, #tpu.memory_space<hbm>>) target(%dma_start3A_163 : memref<128x144xf32, #tpu.memory_space<vmem>>) offsets(%dma_start3A_166 : memref<128xi32, #tpu.memory_space<vmem>>) semaphore(%dma_start3A_171 : memref<!tpu.dma_semaphore, #tpu.memory_space<semaphore_mem>>)
      } else {
      }
      %add3A_116 = arith.constant 1 : i32
      %add3A_117 = arith.addi %mul3A_77, %add3A_116 : i32
      %add3A_118 = arith.constant 1 : i32
      %add3A_119 = arith.addi %mul3A_77, %add3A_118 : i32
      %rem3A_120 = arith.constant 3 : i32
      %rem3A_121 = arith.remsi %add3A_119, %rem3A_120 : i32
      %add3A_122 = arith.addi %add3A_117, %sub3A : i32
      %dma_wait3A_123 = arith.constant 0 : i32
      %dma_wait3A_124 = arith.constant 0 : i32
      %dma_wait3A_125 = tpu.memref_slice %arg8[%rem3A_121, %dma_wait3A_123, %dma_wait3A_124] : memref<3x128x144xf32, #tpu.memory_space<vmem>> -> memref<1x128x144xf32, #tpu.memory_space<vmem>>
      %dma_wait3A_126 = tpu.memref_squeeze %dma_wait3A_125 : memref<1x128x144xf32, #tpu.memory_space<vmem>> -> memref<128x144xf32, #tpu.memory_space<vmem>>
      %dma_wait3A_127 = arith.constant 0 : i32
      %dma_wait3A_128 = tpu.memref_slice %arg6[%add3A_122, %dma_wait3A_127] : memref<80x128xi32, #tpu.memory_space<vmem>> -> memref<1x128xi32, #tpu.memory_space<vmem>>
      %dma_wait3A_129 = tpu.memref_squeeze %dma_wait3A_128 : memref<1x128xi32, #tpu.memory_space<vmem>> -> memref<128xi32, #tpu.memory_space<vmem>>
      %dma_wait3A_130 = arith.constant 0 : i32
      %dma_wait3A_131 = arith.constant 0 : i32
      %dma_wait3A_132 = tpu.memref_slice %arg2[%dma_wait3A_130, %dma_wait3A_131] : memref<5000x144xf32, #tpu.memory_space<hbm>> -> memref<5000x144xf32, #tpu.memory_space<hbm>>
      %dma_wait3A_133 = tpu.memref_slice %arg10[%rem3A_121] : memref<3x!tpu.dma_semaphore, #tpu.memory_space<semaphore_mem>> -> memref<1x!tpu.dma_semaphore, #tpu.memory_space<semaphore_mem>>
      %dma_wait3A_134 = tpu.memref_squeeze %dma_wait3A_133 : memref<1x!tpu.dma_semaphore, #tpu.memory_space<semaphore_mem>> -> memref<!tpu.dma_semaphore, #tpu.memory_space<semaphore_mem>>
      tpu.wait_indirect_dma semaphore(%dma_wait3A_134 : memref<!tpu.dma_semaphore, #tpu.memory_space<semaphore_mem>>) src(%dma_wait3A_132 : memref<5000x144xf32, #tpu.memory_space<hbm>>) dst(%dma_wait3A_126 : memref<128x144xf32, #tpu.memory_space<vmem>>)
      %dma_start3A_135 = arith.constant 0 : i32
      %dma_start3A_136 = arith.constant 0 : i32
      %dma_start3A_137 = tpu.memref_slice %arg8[%rem3A_121, %dma_start3A_135, %dma_start3A_136] : memref<3x128x144xf32, #tpu.memory_space<vmem>> -> memref<1x128x144xf32, #tpu.memory_space<vmem>>
      %dma_start3A_138 = tpu.memref_squeeze %dma_start3A_137 : memref<1x128x144xf32, #tpu.memory_space<vmem>> -> memref<128x144xf32, #tpu.memory_space<vmem>>
      %dma_start3A_139 = arith.constant 0 : i32
      %dma_start3A_140 = tpu.memref_slice %arg7[%add3A_122, %dma_start3A_139] : memref<80x128xi32, #tpu.memory_space<vmem>> -> memref<1x128xi32, #tpu.memory_space<vmem>>
      %dma_start3A_141 = tpu.memref_squeeze %dma_start3A_140 : memref<1x128xi32, #tpu.memory_space<vmem>> -> memref<128xi32, #tpu.memory_space<vmem>>
      %dma_start3A_142 = arith.constant 0 : i32
      %dma_start3A_143 = arith.constant 0 : i32
      %dma_start3A_144 = tpu.memref_slice %arg9[%dma_start3A_142, %dma_start3A_143] : memref<5008x144xf32, #tpu.memory_space<vmem_shared>> -> memref<5008x144xf32, #tpu.memory_space<vmem_shared>>
      %dma_start3A_145 = tpu.memref_slice %arg11[%rem3A_121] : memref<3x!tpu.dma_semaphore, #tpu.memory_space<semaphore_mem>> -> memref<1x!tpu.dma_semaphore, #tpu.memory_space<semaphore_mem>>
      %dma_start3A_146 = tpu.memref_squeeze %dma_start3A_145 : memref<1x!tpu.dma_semaphore, #tpu.memory_space<semaphore_mem>> -> memref<!tpu.dma_semaphore, #tpu.memory_space<semaphore_mem>>
      tpu.enqueue_indirect_dma source(%dma_start3A_138 : memref<128x144xf32, #tpu.memory_space<vmem>>) target(%dma_start3A_144 : memref<5008x144xf32, #tpu.memory_space<vmem_shared>>) offsets(%dma_start3A_141 : memref<128xi32, #tpu.memory_space<vmem>>) semaphore(%dma_start3A_146 : memref<!tpu.dma_semaphore, #tpu.memory_space<semaphore_mem>>) {add = true}
      %ge3A_147 = arith.constant 1 : i32
      %ge3A_148 = arith.cmpi sge, %add3A_117, %ge3A_147 : i32
      %convert_element_type3A_149 = arith.extui %ge3A_148 : i1 to i32
      %cond3A_150 = arith.constant 0 : i32
      %cond3A_151 = arith.cmpi ne, %convert_element_type3A_149, %cond3A_150 : i32
      scf.if %cond3A_151 {
        %sub3A_158 = arith.constant 1 : i32
        %sub3A_159 = arith.subi %add3A_122, %sub3A_158 : i32
        %dma_wait3A_160 = arith.constant 0 : i32
        %dma_wait3A_161 = arith.constant 0 : i32
        %dma_wait3A_162 = tpu.memref_slice %arg8[%rem3A_79, %dma_wait3A_160, %dma_wait3A_161] : memref<3x128x144xf32, #tpu.memory_space<vmem>> -> memref<1x128x144xf32, #tpu.memory_space<vmem>>
        %dma_wait3A_163 = tpu.memref_squeeze %dma_wait3A_162 : memref<1x128x144xf32, #tpu.memory_space<vmem>> -> memref<128x144xf32, #tpu.memory_space<vmem>>
        %dma_wait3A_164 = arith.constant 0 : i32
        %dma_wait3A_165 = tpu.memref_slice %arg7[%sub3A_159, %dma_wait3A_164] : memref<80x128xi32, #tpu.memory_space<vmem>> -> memref<1x128xi32, #tpu.memory_space<vmem>>
        %dma_wait3A_166 = tpu.memref_squeeze %dma_wait3A_165 : memref<1x128xi32, #tpu.memory_space<vmem>> -> memref<128xi32, #tpu.memory_space<vmem>>
        %dma_wait3A_167 = arith.constant 0 : i32
        %dma_wait3A_168 = arith.constant 0 : i32
        %dma_wait3A_169 = tpu.memref_slice %arg9[%dma_wait3A_167, %dma_wait3A_168] : memref<5008x144xf32, #tpu.memory_space<vmem_shared>> -> memref<5008x144xf32, #tpu.memory_space<vmem_shared>>
        %dma_wait3A_170 = tpu.memref_slice %arg11[%rem3A_79] : memref<3x!tpu.dma_semaphore, #tpu.memory_space<semaphore_mem>> -> memref<1x!tpu.dma_semaphore, #tpu.memory_space<semaphore_mem>>
        %dma_wait3A_171 = tpu.memref_squeeze %dma_wait3A_170 : memref<1x!tpu.dma_semaphore, #tpu.memory_space<semaphore_mem>> -> memref<!tpu.dma_semaphore, #tpu.memory_space<semaphore_mem>>
        tpu.wait_indirect_dma semaphore(%dma_wait3A_171 : memref<!tpu.dma_semaphore, #tpu.memory_space<semaphore_mem>>) src(%dma_wait3A_163 : memref<128x144xf32, #tpu.memory_space<vmem>>) dst(%dma_wait3A_169 : memref<5008x144xf32, #tpu.memory_space<vmem_shared>>)
      } else {
      }
      %add3A_152 = arith.constant 2 : i32
      %add3A_153 = arith.addi %add3A_117, %add3A_152 : i32
      %lt3A_154 = arith.cmpi slt, %add3A_153, %mul3A_10 : i32
      %convert_element_type3A_155 = arith.extui %lt3A_154 : i1 to i32
      %cond3A_156 = arith.constant 0 : i32
      %cond3A_157 = arith.cmpi ne, %convert_element_type3A_155, %cond3A_156 : i32
      scf.if %cond3A_157 {
        %add3A_158 = arith.constant 2 : i32
        %add3A_159 = arith.addi %add3A_122, %add3A_158 : i32
        %dma_start3A_160 = arith.constant 0 : i32
        %dma_start3A_161 = arith.constant 0 : i32
        %dma_start3A_162 = tpu.memref_slice %arg8[%rem3A_79, %dma_start3A_160, %dma_start3A_161] : memref<3x128x144xf32, #tpu.memory_space<vmem>> -> memref<1x128x144xf32, #tpu.memory_space<vmem>>
        %dma_start3A_163 = tpu.memref_squeeze %dma_start3A_162 : memref<1x128x144xf32, #tpu.memory_space<vmem>> -> memref<128x144xf32, #tpu.memory_space<vmem>>
        %dma_start3A_164 = arith.constant 0 : i32
        %dma_start3A_165 = tpu.memref_slice %arg6[%add3A_159, %dma_start3A_164] : memref<80x128xi32, #tpu.memory_space<vmem>> -> memref<1x128xi32, #tpu.memory_space<vmem>>
        %dma_start3A_166 = tpu.memref_squeeze %dma_start3A_165 : memref<1x128xi32, #tpu.memory_space<vmem>> -> memref<128xi32, #tpu.memory_space<vmem>>
        %dma_start3A_167 = arith.constant 0 : i32
        %dma_start3A_168 = arith.constant 0 : i32
        %dma_start3A_169 = tpu.memref_slice %arg2[%dma_start3A_167, %dma_start3A_168] : memref<5000x144xf32, #tpu.memory_space<hbm>> -> memref<5000x144xf32, #tpu.memory_space<hbm>>
        %dma_start3A_170 = tpu.memref_slice %arg10[%rem3A_79] : memref<3x!tpu.dma_semaphore, #tpu.memory_space<semaphore_mem>> -> memref<1x!tpu.dma_semaphore, #tpu.memory_space<semaphore_mem>>
        %dma_start3A_171 = tpu.memref_squeeze %dma_start3A_170 : memref<1x!tpu.dma_semaphore, #tpu.memory_space<semaphore_mem>> -> memref<!tpu.dma_semaphore, #tpu.memory_space<semaphore_mem>>
        tpu.enqueue_indirect_dma source(%dma_start3A_169 : memref<5000x144xf32, #tpu.memory_space<hbm>>) target(%dma_start3A_163 : memref<128x144xf32, #tpu.memory_space<vmem>>) offsets(%dma_start3A_166 : memref<128xi32, #tpu.memory_space<vmem>>) semaphore(%dma_start3A_171 : memref<!tpu.dma_semaphore, #tpu.memory_space<semaphore_mem>>)
      } else {
      }
    }
    %sub3A_49 = arith.constant 1 : i32
    %sub3A_50 = arith.subi %mul3A_10, %sub3A_49 : i32
    %rem3A = arith.constant 3 : i32
    %rem3A_51 = arith.remsi %sub3A_50, %rem3A : i32
    %sub3A_52 = arith.constant 1 : i32
    %sub3A_53 = arith.subi %mul3A_10, %sub3A_52 : i32
    %add3A_54 = arith.addi %sub3A_53, %sub3A : i32
    %sub3A_55 = arith.constant 1 : i32
    %sub3A_56 = arith.subi %mul3A_10, %sub3A_55 : i32
    %rem3A_57 = arith.constant 3 : i32
    %rem3A_58 = arith.remsi %sub3A_56, %rem3A_57 : i32
    %dma_wait3A = arith.constant 0 : i32
    %dma_wait3A_59 = arith.constant 0 : i32
    %dma_wait3A_60 = tpu.memref_slice %arg8[%rem3A_51, %dma_wait3A, %dma_wait3A_59] : memref<3x128x144xf32, #tpu.memory_space<vmem>> -> memref<1x128x144xf32, #tpu.memory_space<vmem>>
    %dma_wait3A_61 = tpu.memref_squeeze %dma_wait3A_60 : memref<1x128x144xf32, #tpu.memory_space<vmem>> -> memref<128x144xf32, #tpu.memory_space<vmem>>
    %dma_wait3A_62 = arith.constant 0 : i32
    %dma_wait3A_63 = tpu.memref_slice %arg7[%add3A_54, %dma_wait3A_62] : memref<80x128xi32, #tpu.memory_space<vmem>> -> memref<1x128xi32, #tpu.memory_space<vmem>>
    %dma_wait3A_64 = tpu.memref_squeeze %dma_wait3A_63 : memref<1x128xi32, #tpu.memory_space<vmem>> -> memref<128xi32, #tpu.memory_space<vmem>>
    %dma_wait3A_65 = arith.constant 0 : i32
    %dma_wait3A_66 = arith.constant 0 : i32
    %dma_wait3A_67 = tpu.memref_slice %arg9[%dma_wait3A_65, %dma_wait3A_66] : memref<5008x144xf32, #tpu.memory_space<vmem_shared>> -> memref<5008x144xf32, #tpu.memory_space<vmem_shared>>
    %dma_wait3A_68 = tpu.memref_slice %arg11[%rem3A_58] : memref<3x!tpu.dma_semaphore, #tpu.memory_space<semaphore_mem>> -> memref<1x!tpu.dma_semaphore, #tpu.memory_space<semaphore_mem>>
    %dma_wait3A_69 = tpu.memref_squeeze %dma_wait3A_68 : memref<1x!tpu.dma_semaphore, #tpu.memory_space<semaphore_mem>> -> memref<!tpu.dma_semaphore, #tpu.memory_space<semaphore_mem>>
    tpu.wait_indirect_dma semaphore(%dma_wait3A_69 : memref<!tpu.dma_semaphore, #tpu.memory_space<semaphore_mem>>) src(%dma_wait3A_61 : memref<128x144xf32, #tpu.memory_space<vmem>>) dst(%dma_wait3A_67 : memref<5008x144xf32, #tpu.memory_space<vmem_shared>>)
    %barrier3A_70 = arith.constant 0 : index
    tpu.barrier barrier_id(%barrier3A_70)
    %mul3A_71 = arith.constant 313 : i32
    %mul3A_72 = arith.muli %arg1, %mul3A_71 : i32
    %mul3A_73 = arith.constant 313 : i32
    %mul3A_74 = arith.muli %arg1, %mul3A_73 : i32
    "tpu.region"() ({
      %run_scoped3A_75 = tpu.sem_alloc : memref<!tpu.dma_semaphore, #tpu.memory_space<semaphore_mem>>
      %dma_start3A_76 = arith.constant 0 : i32
      %dma_start3A_77 = tpu.memref_slice %arg5[%arg0, %mul3A_74, %dma_start3A_76] : memref<2x5008x144xf32, #tpu.memory_space<hbm>> -> memref<1x313x144xf32, #tpu.memory_space<hbm>>
      %dma_start3A_78 = tpu.memref_squeeze %dma_start3A_77 : memref<1x313x144xf32, #tpu.memory_space<hbm>> -> memref<313x144xf32, #tpu.memory_space<hbm>>
      %dma_start3A_79 = arith.constant 0 : i32
      %dma_start3A_80 = tpu.memref_slice %arg9[%mul3A_72, %dma_start3A_79] : memref<5008x144xf32, #tpu.memory_space<vmem_shared>> -> memref<313x144xf32, #tpu.memory_space<vmem_shared>>
      tpu.enqueue_dma source(%dma_start3A_80 : memref<313x144xf32, #tpu.memory_space<vmem_shared>>) target(%dma_start3A_78 : memref<313x144xf32, #tpu.memory_space<hbm>>) target_semaphore(%run_scoped3A_75 : memref<!tpu.dma_semaphore, #tpu.memory_space<semaphore_mem>>)
      %dma_wait3A_81 = arith.constant 0 : i32
      %dma_wait3A_82 = tpu.memref_slice %arg5[%arg0, %mul3A_74, %dma_wait3A_81] : memref<2x5008x144xf32, #tpu.memory_space<hbm>> -> memref<1x313x144xf32, #tpu.memory_space<hbm>>
      %dma_wait3A_83 = tpu.memref_squeeze %dma_wait3A_82 : memref<1x313x144xf32, #tpu.memory_space<hbm>> -> memref<313x144xf32, #tpu.memory_space<hbm>>
      %dma_wait3A_84 = arith.constant 0 : i32
      %dma_wait3A_85 = tpu.memref_slice %arg9[%mul3A_72, %dma_wait3A_84] : memref<5008x144xf32, #tpu.memory_space<vmem_shared>> -> memref<313x144xf32, #tpu.memory_space<vmem_shared>>
      tpu.wait_dma2 semaphore(%run_scoped3A_75 : memref<!tpu.dma_semaphore, #tpu.memory_space<semaphore_mem>>) src(%dma_wait3A_85 : memref<313x144xf32, #tpu.memory_space<vmem_shared>>) dst(%dma_wait3A_83 : memref<313x144xf32, #tpu.memory_space<hbm>>)
      tpu.yield
    }) : () -> ()
    return
  }
}

module attributes {stable_mosaic.version = 14 : i64} {
  func.func @_mm_body(%arg0: i32, %arg1: memref<1000x128xf32, #tpu.memory_space<vmem>>, %arg2: memref<128x144xf32, #tpu.memory_space<vmem>>, %arg3: memref<1000x144xf32, #tpu.memory_space<vmem>>) attributes {dimension_semantics = [#tpu.dimension_semantics<arbitrary>], iteration_bounds = array<i64: 5>, scalar_prefetch = 0 : i64, scratch_operands = 0 : i64, tpu.core_type = #tpu.core_type<tc>, window_params = [{transform_indices = @transform_0, window_bounds = array<i64: 1000, 128>}, {pipeline_mode = #tpu.pipeline_mode<synchronous>, transform_indices = @transform_1, window_bounds = array<i64: 128, 144>}, {transform_indices = @transform_2, window_bounds = array<i64: 1000, 144>}]} {
    %get3A = arith.constant 0 : index
    %get3A_0 = arith.constant 0 : index
    %get3A_1 = vector.load %arg1[%get3A, %get3A_0] : memref<1000x128xf32, #tpu.memory_space<vmem>>, vector<1000x128xf32>
    %get3A_2 = arith.constant 0 : index
    %get3A_3 = arith.constant 0 : index
    %get3A_4 = vector.load %arg2[%get3A_2, %get3A_3] : memref<128x144xf32, #tpu.memory_space<vmem>>, vector<128x144xf32>
    %dot_general3A = arith.constant dense<0.000000e+00> : vector<1000x144xf32>
    %dot_general3A_5 = tpu.matmul %get3A_1, %get3A_4, %dot_general3A {dimension_numbers = #tpu.dot_dimension_numbers<[1], [0], [0], [1], [0, 0, 1, 1], [], []>, precision = #tpu.contract_precision<fp32>, transpose_lhs_hint = false} : vector<1000x128xf32>, vector<128x144xf32>, vector<1000x144xf32> -> vector<1000x144xf32>
    %iota3A = tpu.iota {dimensions = array<i32: 1>} : vector<1000x144xi32>
    %eq3A = arith.constant 128 : i32
    %eq3A_6 = vector.broadcast %eq3A : i32 to vector<1000x144xi32>
    %eq3A_7 = arith.cmpi eq, %iota3A, %eq3A_6 : vector<1000x144xi32>
    %convert_element_type3A = arith.extui %eq3A_7 : vector<1000x144xi1> to vector<1000x144xi32>
    %convert_element_type3A_8 = arith.sitofp %convert_element_type3A : vector<1000x144xi32> to vector<1000x144xf32>
    %add3A = arith.addf %dot_general3A_5, %convert_element_type3A_8 : vector<1000x144xf32>
    %swap3A = arith.constant 0 : index
    %swap3A_9 = arith.constant 0 : index
    %swap3A_10 = vector.load %arg3[%swap3A, %swap3A_9] : memref<1000x144xf32, #tpu.memory_space<vmem>>, vector<1000x144xf32>
    tpu.vector_store %arg3[%swap3A, %swap3A_9], %add3A {strides = array<i32>} : memref<1000x144xf32, #tpu.memory_space<vmem>>, vector<1000x144xf32>,
    return
  }
  func.func @transform_0(%arg0: i32) -> (i32, i32) {
    %c0_i32 = arith.constant 0 : i32
    %c0_i32_0 = arith.constant 0 : i32
    return %arg0, %c0_i32 : i32, i32
  }
  func.func @transform_1(%arg0: i32) -> (i32, i32) {
    %c0_i32 = arith.constant 0 : i32
    %c0_i32_0 = arith.constant 0 : i32
    %c0_i32_1 = arith.constant 0 : i32
    return %c0_i32, %c0_i32_0 : i32, i32
  }
  func.func @transform_2(%arg0: i32) -> (i32, i32) {
    %c0_i32 = arith.constant 0 : i32
    %c0_i32_0 = arith.constant 0 : i32
    return %arg0, %c0_i32 : i32, i32
  }
}

module attributes {stable_mosaic.version = 14 : i64} {
  func.func @_combine_body(%arg0: i32, %arg1: memref<2x1000x144xf32, #tpu.memory_space<vmem>>, %arg2: memref<1000x144xf32, #tpu.memory_space<vmem>>, %arg3: memref<1000x128xf32, #tpu.memory_space<vmem>>, %arg4: memref<128x128xf32, #tpu.memory_space<vmem>>, %arg5: memref<1000x128xf32, #tpu.memory_space<vmem>>, %arg6: memref<1000x128xf32, #tpu.memory_space<vmem>>) attributes {dimension_semantics = [#tpu.dimension_semantics<arbitrary>], iteration_bounds = array<i64: 5>, scalar_prefetch = 0 : i64, scratch_operands = 0 : i64, tpu.core_type = #tpu.core_type<tc>, window_params = [{transform_indices = @transform_0, window_bounds = array<i64: 2, 1000, 144>}, {transform_indices = @transform_1, window_bounds = array<i64: 1000, 144>}, {transform_indices = @transform_2, window_bounds = array<i64: 1000, 128>}, {pipeline_mode = #tpu.pipeline_mode<synchronous>, transform_indices = @transform_3, window_bounds = array<i64: 128, 128>}, {transform_indices = @transform_4, window_bounds = array<i64: 1000, 128>}, {transform_indices = @transform_5, window_bounds = array<i64: 1000, 128>}]} {
    %get3A = arith.constant 0 : index
    %get3A_0 = arith.constant 0 : index
    %get3A_1 = arith.constant 0 : index
    %get3A_2 = vector.load %arg1[%get3A, %get3A_0, %get3A_1] : memref<2x1000x144xf32, #tpu.memory_space<vmem>>, vector<1x1000x144xf32>
    %get3A_3 = vector.shape_cast %get3A_2 : vector<1x1000x144xf32> to vector<1000x144xf32>
    %get3A_4 = arith.constant 1 : index
    %get3A_5 = arith.constant 0 : index
    %get3A_6 = arith.constant 0 : index
    %get3A_7 = vector.load %arg1[%get3A_4, %get3A_5, %get3A_6] : memref<2x1000x144xf32, #tpu.memory_space<vmem>>, vector<1x1000x144xf32>
    %get3A_8 = vector.shape_cast %get3A_7 : vector<1x1000x144xf32> to vector<1000x144xf32>
    %add3A = arith.addf %get3A_3, %get3A_8 : vector<1000x144xf32>
    %slice3A = vector.extract_strided_slice %add3A {offsets = [0, 0], sizes = [1000, 128], strides = [1, 1]} : vector<1000x144xf32> to vector<1000x128xf32>
    %slice3A_9 = vector.extract_strided_slice %add3A {offsets = [0, 128], sizes = [1000, 1], strides = [1, 1]} : vector<1000x144xf32> to vector<1000x1xf32>
    %squeeze3A = vector.shape_cast %slice3A_9 : vector<1000x1xf32> to vector<1000xf32>
    %add3A_10 = arith.constant 1.000000e+00 : f32
    %add3A_11 = vector.broadcast %add3A_10 : f32 to vector<1000xf32>
    %add3A_12 = arith.addf %squeeze3A, %add3A_11 : vector<1000xf32>
    %sqrt3A = math.sqrt %add3A_12 : vector<1000xf32>
    %div3A = arith.constant 1.000000e+00 : f32
    %div3A_13 = vector.broadcast %div3A : f32 to vector<1000xf32>
    %div3A_14 = arith.divf %div3A_13, %sqrt3A : vector<1000xf32>
    %get3A_15 = arith.constant 0 : index
    %get3A_16 = arith.constant 0 : index
    %get3A_17 = vector.load %arg3[%get3A_15, %get3A_16] : memref<1000x128xf32, #tpu.memory_space<vmem>>, vector<1000x128xf32>
    %get3A_18 = arith.constant 0 : index
    %get3A_19 = arith.constant 0 : index
    %get3A_20 = vector.load %arg4[%get3A_18, %get3A_19] : memref<128x128xf32, #tpu.memory_space<vmem>>, vector<128x128xf32>
    %dot_general3A = arith.constant dense<0.000000e+00> : vector<1000x128xf32>
    %dot_general3A_21 = tpu.matmul %get3A_17, %get3A_20, %dot_general3A {dimension_numbers = #tpu.dot_dimension_numbers<[1], [0], [0], [1], [0, 0, 1, 1], [], []>, precision = #tpu.contract_precision<fp32>, transpose_lhs_hint = false} : vector<1000x128xf32>, vector<128x128xf32>, vector<1000x128xf32> -> vector<1000x128xf32>
    %broadcast_in_dim3A = vector.shape_cast %div3A_14 : vector<1000xf32> to vector<1000x1xf32>
    %mul3A = vector.broadcast %broadcast_in_dim3A : vector<1000x1xf32> to vector<1000x128xf32>
    %mul3A_22 = arith.mulf %mul3A, %slice3A : vector<1000x128xf32>
    %mul3A_23 = arith.mulf %div3A_14, %div3A_14 : vector<1000xf32>
    %broadcast_in_dim3A_24 = vector.shape_cast %mul3A_23 : vector<1000xf32> to vector<1000x1xf32>
    %mul3A_25 = vector.broadcast %broadcast_in_dim3A_24 : vector<1000x1xf32> to vector<1000x128xf32>
    %mul3A_26 = arith.mulf %mul3A_25, %dot_general3A_21 : vector<1000x128xf32>
    %add3A_27 = arith.addf %mul3A_22, %mul3A_26 : vector<1000x128xf32>
    %max3A = arith.constant 0.000000e+00 : f32
    %max3A_28 = vector.broadcast %max3A : f32 to vector<1000x128xf32>
    %max3A_29 = arith.maximumf %add3A_27, %max3A_28 : vector<1000x128xf32>
    %swap3A = arith.constant 0 : index
    %swap3A_30 = arith.constant 0 : index
    %swap3A_31 = vector.load %arg6[%swap3A, %swap3A_30] : memref<1000x128xf32, #tpu.memory_space<vmem>>, vector<1000x128xf32>
    tpu.vector_store %arg6[%swap3A, %swap3A_30], %max3A_29 {strides = array<i32>} : memref<1000x128xf32, #tpu.memory_space<vmem>>, vector<1000x128xf32>,
    %get3A_32 = arith.constant 0 : index
    %get3A_33 = arith.constant 0 : index
    %get3A_34 = vector.load %arg2[%get3A_32, %get3A_33] : memref<1000x144xf32, #tpu.memory_space<vmem>>, vector<1000x128xf32>
    %max3A_35 = arith.constant 0.000000e+00 : f32
    %max3A_36 = vector.broadcast %max3A_35 : f32 to vector<1000x128xf32>
    %max3A_37 = arith.maximumf %get3A_34, %max3A_36 : vector<1000x128xf32>
    %swap3A_38 = arith.constant 0 : index
    %swap3A_39 = arith.constant 0 : index
    %swap3A_40 = vector.load %arg5[%swap3A_38, %swap3A_39] : memref<1000x128xf32, #tpu.memory_space<vmem>>, vector<1000x128xf32>
    tpu.vector_store %arg5[%swap3A_38, %swap3A_39], %max3A_37 {strides = array<i32>} : memref<1000x128xf32, #tpu.memory_space<vmem>>, vector<1000x128xf32>,
    return
  }
  func.func @transform_0(%arg0: i32) -> (i32, i32, i32) {
    %c0_i32 = arith.constant 0 : i32
    %c0_i32_0 = arith.constant 0 : i32
    %c0_i32_1 = arith.constant 0 : i32
    return %c0_i32, %arg0, %c0_i32_0 : i32, i32, i32
  }
  func.func @transform_1(%arg0: i32) -> (i32, i32) {
    %c0_i32 = arith.constant 0 : i32
    %c0_i32_0 = arith.constant 0 : i32
    return %arg0, %c0_i32 : i32, i32
  }
  func.func @transform_2(%arg0: i32) -> (i32, i32) {
    %c0_i32 = arith.constant 0 : i32
    %c0_i32_0 = arith.constant 0 : i32
    return %arg0, %c0_i32 : i32, i32
  }
  func.func @transform_3(%arg0: i32) -> (i32, i32) {
    %c0_i32 = arith.constant 0 : i32
    %c0_i32_0 = arith.constant 0 : i32
    %c0_i32_1 = arith.constant 0 : i32
    return %c0_i32, %c0_i32_0 : i32, i32
  }
  func.func @transform_4(%arg0: i32) -> (i32, i32) {
    %c0_i32 = arith.constant 0 : i32
    %c0_i32_0 = arith.constant 0 : i32
    return %arg0, %c0_i32 : i32, i32
  }
  func.func @transform_5(%arg0: i32) -> (i32, i32) {
    %c0_i32 = arith.constant 0 : i32
    %c0_i32_0 = arith.constant 0 : i32
    return %arg0, %c0_i32 : i32, i32
  }
}

</mosaic_0001>

<sc_bundles>
// kernel: kernel.5.cloned.1.call-start
scs
__scs_entry_jumppad:
0x0: {  	(pc) =	sbr.rel $0x88, $3  }
0x1: {  	(tag) =	ssettag $0x0;
	lr =	simm.s32 $0x1  }
0x2: {  	[smem:$0x3F9D] =	sst lr;
	_ =	strace $0xD0000000  }
0x3: {  	_ = 	snop  }
0x4: {  	_ = 	snop  }
0x5: {  	_ = 	snop  }
0x6: {  	_ = 	snop  }
0x7: {  	_ = 	snop  }
__scs_overlays_trampoline_lowered:
0x8: {  	[smem:$0x3FAC] =	sst s0  }
0x9: {  	[smem:$0x3FAD] =	sst s1  }
0xa: {  	[smem:$0x3FAE] =	sst s2  }
0xb: {  	[smem:$0x3FAF] =	sst s3  }
0xc: {  	[smem:$0x3FB0] =	sst s4  }
0xd: {  	[smem:$0x3FB1] =	sst s5  }
0xe: {  	[smem:$0x3FB2] =	sst s6  }
0xf: {  	[smem:$0x3FB3] =	sst s7  }
0x10: {  	[smem:$0x3FB4] =	sst s8  }
0x11: {  	[smem:$0x3FB5] =	sst s9;
	s0 =	simm.s32 @!p0 $0x0  }
0x12: {  	s1 =	sld [smem:$0x3F9B];
	s0 =	simm.s32 @p0 $0x1  }
0x13: {  	[smem:$0x3FB6] =	sst s0;
	s0 =	simm.s32 @!p1 $0x0  }
0x14: {  	s2 =	sld [smem:$0x3F9A];
	s0 =	simm.s32 @p1 $0x1  }
0x15: {  	[smem:$0x3FB7] =	sst s0;
	s0 =	simm.s32 @!p2 $0x0  }
0x16: {  	s3 =	sld [smem:$0x3FDB];
	s0 =	simm.s32 @p2 $0x1  }
0x17: {  	s4 =	simm.s32 $0x1BF5;
	[smem:$0x3FB9] =	sst s0  }
0x18: {  	s0 =	sld [smem:$0x3F9C];
	_ =	swait.ge [sflag:s4], $0x0  }
0x19: {  	s7 =	sld [smem:$0x3F9D]  }
0x1a: {  	s8 =	sadd.s32 $0xFFFFE003, lr  }
0x1b: {  	s9 =	sadd.s32 $0xFFFFFEF7, lr;
	s5 =	simm.s32 $0xFFFFFFFF;
	p2 =	slt.u32 s8, $0xFFFFF086  }
0x1c: {  	p1 =	slt.u32 s9, $0xF7A;
	s5 =	simm.s32 @!p2 $0x0  }
0x1d: {  	s5 =	simm.s32 @p1 $0x1;
	p0 =	seq.s32 s7, s2  }
0x1e: {  	s7 =	smul.u32 @!p0 $0xF7A, s2;
	p2 =	seq.s32 @!p0 s5, $0x0  }
0x1f: {  	s9 =	smul.u32 $0xF7A, s1;
	s8 =	simm.s32 @!p0 $0x1BF5;
	p2 =	por !p2, p0  }
0x20: {  	[sflag:s8] =	ssyncset.s32 @!p0 $0xFFFFF086;
	s6 =	sadd.s32 @!p0 s3, s7;
	s7 =	simm.s32 @!p0 $0x108  }
0x21: {  	s3 =	sadd.s32 s3, s9;
	s6 =	sadd.s32 @!p0 $0x88, s6;
	s7 =	simm.s32 @p2 $0x1082  }
0x22: {  	[simem:s7], [sflag:s8] =	dma.local @!p0 [hbm:s6], $0xF7A  }
0x23: {  	s9 =	sor.u32 $0xD0000000, s2;
	s6 =	simm.s32 $0x108;
	_ =	swait.ge @!p0 [sflag:s8], $0x0  }
0x24: {  	s3 =	sadd.s32 $0x88, s3;
	s6 =	simm.s32 @!p1 $0x1082;
	[sflag:s4] =	ssyncset.s32 $0xFFFFF086  }
0x25: {  	[simem:s6], [sflag:s4] =	dma.local [hbm:s3], $0xF7A  }
0x26: {  	[smem:$0x3F9D] =	sst s1;
	(tag) =	ssettag s2;
	_ =	strace s9  }
0x27: {  	s1 =	sld [smem:$0x3FAD]  }
0x28: {  	s2 =	sld [smem:$0x3FAE]  }
0x29: {  	s4 =	sld [smem:$0x3FB0]  }
0x2a: {  	p0 =	seq.s32 s5, $0x0;
	s5 =	sld [smem:$0x3FB1]  }
0x2b: {  	s6 =	sld [smem:$0x3FB2]  }
0x2c: {  	s7 =	sld [smem:$0x3FB3]  }
0x2d: {  	s3 =	simm.s32 $0x108;
	s8 =	sld [smem:$0x3FB4]  }
0x2e: {  	s3 =	simm.s32 @!p0 $0x1082;
	s9 =	sld [smem:$0x3FB5]  }
0x2f: {  	lr =	sadd.s32 s0, s3;
	s0 =	sld [smem:$0x3FAC]  }
0x30: {  	s3 =	sld [smem:$0x3FAF]  }
0x31: {  	[smem:$0x3FB8] =	sst s10  }
0x32: {  	s10 =	sld [smem:$0x3FB6];
	_ =	sdelay $0x3  }
0x33: {  	p0 =	seq.s32 s10, $0x1;
	s10 =	sld [smem:$0x3FB8];
	_ =	sdelay $0x3  }
0x34: {  	[smem:$0x3FB8] =	sst s10  }
0x35: {  	s10 =	sld [smem:$0x3FB7];
	_ =	sdelay $0x3  }
0x36: {  	p1 =	seq.s32 s10, $0x1;
	s10 =	sld [smem:$0x3FB8];
	_ =	sdelay $0x3  }
0x37: {  	[smem:$0x3FB8] =	sst s10  }
0x38: {  	s10 =	sld [smem:$0x3FB9]  }
0x39: {  	_ = 	snop;
	(pc) =	sbr.ind lr, $3  }
0x3a: {  	_ = 	snop  }
0x3b: {  	_ = 	snop  }
0x3c: {  	p2 =	seq.s32 s10, $0x1;
	s10 =	sld [smem:$0x3FB8]  }
0x3d: {  	_ =	shalt  }
0x3e: {  	_ =	shalt  }
0x3f: {  	_ =	shalt  }
0x40: {  	_ =	shalt  }
0x41: {  	_ =	shalt  }
0x42: {  	_ =	shalt  }
0x43: {  	_ =	shalt  }
0x44: {  	_ =	shalt  }
0x45: {  	_ =	shalt  }
0x46: {  	_ =	shalt  }
0x47: {  	_ =	shalt  }
0x48: {  	_ =	shalt  }
0x49: {  	_ =	shalt  }
0x4a: {  	_ =	shalt  }
0x4b: {  	_ =	shalt  }
0x4c: {  	_ =	shalt  }
0x4d: {  	_ =	shalt  }
0x4e: {  	_ =	shalt  }
0x4f: {  	_ =	shalt  }
0x50: {  	_ =	shalt  }
0x51: {  	_ =	shalt  }
0x52: {  	_ =	shalt  }
0x53: {  	_ =	shalt  }
0x54: {  	_ =	shalt  }
0x55: {  	_ =	shalt  }
0x56: {  	_ =	shalt  }
0x57: {  	_ =	shalt  }
0x58: {  	_ =	shalt  }
0x59: {  	_ =	shalt  }
0x5a: {  	_ =	shalt  }
0x5b: {  	_ =	shalt  }
0x5c: {  	_ =	shalt  }
0x5d: {  	_ =	shalt  }
0x5e: {  	_ =	shalt  }
0x5f: {  	_ =	shalt  }
0x60: {  	_ =	shalt  }
0x61: {  	_ =	shalt  }
0x62: {  	_ =	shalt  }
0x63: {  	_ =	shalt  }
0x64: {  	_ =	shalt  }
0x65: {  	_ =	shalt  }
0x66: {  	_ =	shalt  }
0x67: {  	_ =	shalt  }
0x68: {  	_ =	shalt  }
0x69: {  	_ =	shalt  }
0x6a: {  	_ =	shalt  }
0x6b: {  	_ =	shalt  }
0x6c: {  	_ =	shalt  }
0x6d: {  	_ =	shalt  }
0x6e: {  	_ =	shalt  }
0x6f: {  	_ =	shalt  }
0x70: {  	_ =	shalt  }
0x71: {  	_ =	shalt  }
0x72: {  	_ =	shalt  }
0x73: {  	_ =	shalt  }
0x74: {  	_ =	shalt  }
0x75: {  	_ =	shalt  }
0x76: {  	_ =	shalt  }
0x77: {  	_ =	shalt  }
0x78: {  	_ =	shalt  }
0x79: {  	_ =	shalt  }
0x7a: {  	_ =	shalt  }
0x7b: {  	_ =	shalt  }
0x7c: {  	_ =	shalt  }
0x7d: {  	_ =	shalt  }
0x7e: {  	_ =	shalt  }
0x7f: {  	_ =	shalt  }
0x80: {  	_ =	shalt  }
0x81: {  	_ =	shalt  }
0x82: {  	_ =	shalt  }
0x83: {  	_ =	shalt  }
0x84: {  	_ =	shalt  }
0x85: {  	_ =	shalt  }
0x86: {  	_ =	shalt  }
0x87: {  	_ =	shalt  }
.Lfunc_end0:
.L_simem_size_0:
called_computation_lowered:
.L_overlay_start_0:
0x88: {  	s2 =	sld [smem:$0x3FD9]  }
0x89: {  	s3 =	sld [smem:$0x3FFE];
	_ =	sdelay $0x1  }
0x8a: {  	s1 =	srdreg.scid  }
0x8b: {  	s0 =	sand.u32 $0x1, s1  }
0x8c: {  	s14 =	sshll.u32 s0, $0xA;
	s2 =	sadd.s32 s3, s2  }
0x8d: {  	s2 =	sadd.s32 s2, s14  }
0x8e: {  	[smem:$0x3FC4] =	sst s2  }
0x8f: {  	_ = 	snop  }
0x90: {  	s2 =	sld [smem:$0x3FD0];
	_ =	sdelay $0x2  }
0x91: {  	s15 =	simm.s32 $0xA;
	s4 =	simm.s32 $0x10  }
0x92: {  	[smem:s4], [sflag:s15] =	dma.local [hbm:s2], $0x1  }
0x93: {  	_ =	swait.eq [sflag:s15], $0x1  }
0x94: {  	[sflag:s15] =	ssyncset.done $0x0  }
0x95: {  	s16 =	sld [smem:$0x10];
	[sflag:s15] =	ssyncadd.s32 $0xFFFFFFFF  }
0x96: {  	s17 =	sld [smem:$0x11];
	(tm) =	ssettm $0x1  }
0x97: {  	s18 =	sld [smem:$0x3FFB];
	_ =	sdelay $0x3  }
0x98: {  	_ =	strace s18  }
0x99: {  	s4 =	sld [smem:$0x3FFC];
	_ =	sdelay $0x3  }
0x9a: {  	_ =	strace s4  }
0x9b: {  	s4 =	sld [smem:$0x3FFD];
	_ =	sdelay $0x3  }
0x9c: {  	_ =	strace s4  }
0x9d: {  	_ =	strace $0x8FFFFFFF  }
0x9e: {  	s19 =	sld [smem:$0x3FDB];
	_ =	sdelay $0x1  }
0x9f: {  	s5 =	simm.s32 $_scs_section_size  }
0xa0: {  	s6 =	simm.s32 $_size__tile_overlayer_lowered;
	s7 =	simm.s32 $_tile_overlayer_lowered  }
0xa1: {  	s22 =	simm.s32 $0x1BFF;
	s21 =	sshll.u32 s7, $0x1;
	s4 =	sadd.s32 s5, s19  }
0xa2: {  	s8 =	simm.s32 $0x0;
	s20 =	sshll.u32 s6, $0x1;
	s6 =	sadd.s32 s21, s4  }
0xa3: {  	[timem:s8], [sflag:s22] =	dma.local [hbm:s6], s20  }
0xa4: {  	_ =	swait.ge [sflag:s22], s20  }
0xa5: {  	s5 =	ssub.s32 $0x0, s20;
	[sflag:s22] =	ssyncset.done $0x0  }
0xa6: {  	[sflag:s22] =	ssyncadd.s32 s5;
	_ =	sdelay $0x1  }
0xa7: {  	s23 =	simm.s32 $0x1B8B  }
0xa8: {  	_ =	swait.ge [sflag:s23], $0x1  }
0xa9: {  	[sflag:s23] =	ssyncset.done $0x0  }
0xaa: {  	s25 =	simm.s32 $0x1B8E;
	s24 =	sld [smem:$0x3FFE];
	[sflag:s23] =	ssyncadd.s32 $0xFFFFFFFF  }
0xab: {  	s26 =	simm.s32 $execute0_lowered;
	[smem:$0x3FD2] =	sst s25  }
0xac: {  	s6 =	sshll.u32 s26, $0x1;
	_ =	strace $0x80000046;
	[dreg:$0x1] =	wrdreg $0xFFFFFFFF  }
0xad: {  	s28 =	simm.s32 $_size_execute0_lowered;
	s4 =	sadd.s32 s4, s6;
	[dreg:$0x0] =	wrdreg $0x0  }
0xae: {  	s6 =	sshll.u32 s28, $0x1;
	[dreg:$0x2] =	wrdreg s4  }
0xaf: {  	[dreg:$0x3] =	wrdreg s6  }
0xb0: {  	[dreg:$0x4] =	wrdreg $0xC0  }
0xb1: {  	_ =	task [dreg:s8], $0x5FFFF  }
0xb2: {  	[dreg:$0x1] =	wrdreg $0xFFFFFFFF  }
0xb3: {  	[dreg:$0x0] =	wrdreg $0x60  }
0xb4: {  	[dreg:$0x2] =	wrdreg s24  }
0xb5: {  	[dreg:$0x3] =	wrdreg s17  }
0xb6: {  	[dreg:$0x4] =	wrdreg s16  }
0xb7: {  	[dreg:$0x5] =	wrdreg $0x128000  }
0xb8: {  	[dreg:$0x6] =	wrdreg $0x9  }
0xb9: {  	_ =	task.clear_ibuf [dreg:s8], $0x7FFFF;
	_ =	strace $0x90000046  }
0xba: {  	s29 =	simm.s32 $0x9;
	_ =	strace $0x80000048  }
0xbb: {  	_ =	swait.ge [sflag:s29], $0x1  }
0xbc: {  	[sflag:s29] =	ssyncadd.s32 $0xFFFFFFFF  }
0xbd: {  	_ =	strace $0x90000048  }
0xbe: {  	_ =	sfence  }
0xbf: {  	s30 =	sld [smem:$0x0];
	_ =	sdelay $0x2  }
0xc0: {  	s31 =	sshll.u32 s1, $0xD;
	s1 =	sshrl.u32 s1, $0x2  }
0xc1: {  	s3 =	sand.u32 $0x4000, s31;
	s1 =	sadd.s32 s1, s30  }
0xc2: {  	s0 =	sor.u32 s3, s0;
	s1 =	sshll.u32 s1, $0x11  }
0xc3: {  	s0 =	sor.u32 s1, s0  }
0xc4: {  	s0 =	sadd.s32 $0x8F2B, s0  }
0xc5: {  	[sflag:s0] =	ssyncadd.remote.s32 $0x1  }
0xc6: {  	_ =	sfence.sel $0xFFFF  }
0xc7: {  	[dreg:$0x0] =	wrdreg $0xFFFFFFFF;
	(pc) =	sbr.abs _section_cstart, $3  }
0xc8: {  	[dreg:$0x1] =	wrdreg $0xFFFFFFFF  }
0xc9: {  	_ =	task.clear_ibuf [dreg:s8], $0x2FFFF;
	_ =	strace $0x9FFFFFFF  }
0xca: {  	(tm) =	ssettm $0x7FFFFFFF  }
0xcb: {  	_ =	shalt  }
tec
execute0_lowered:
.L_overlay_start_1:
0x0: {  	(tag) =	ssettag $0x1  }
0x1: {  	s0 =	rddreg [dreg:$0x0]  }
0x2: {  	s1 =	rddreg [dreg:$0x1]  }
0x3: {  	s3 =	rddreg [dreg:$0x3]  }
0x4: {  	s2 =	srdreg.scid;
	s4 =	stileid.u32;
	s6 =	simm.s32 $0x0  }
0x5: {  	s15 =	simm.s32 $0xA;
	s2 =	sand.u32 $0x1, s2;
	s5 =	sshll.u32 s4, $0x1  }
0x6: {  	[smem:$0x7FF] =	sst s6;
	s7 =	smul.u32 $0xB010, s4;
	s20 =	sshll.u32 s4, $0x6  }
0x7: {  	s11 =	sor.u32 s2, s5;
	s8 =	smul.u32 $0xB0100, s2;
	_ =	strace $0x80000047  }
0x8: {  	s5 =	sadd.s32 $0xA00, s0;
	s10 =	ssub.s32 $0x2, s2;
	s25 =	smul.u32 $0xA000, s2  }
0x9: {  	p0 =	seq.s32 s11, $0x1F;
	s9 =	smul.u32 $0x50, s11;
	s12 =	sshrl.u32 s10, $0x1  }
0xa: {  	s17 =	sadd.s32 s7, s3;
	s15 =	simm.s32 @!p0 $0x28;
	s8 =	sadd.s32 s7, s8  }
0xb: {  	s16 =	ssub.s32 s10, s12;
	s6 =	sshll.u32 s15, $0x1;
	s8 =	sshrl.u32 s8, $0x3  }
0xc: {  	s13 =	smin.u32 s9, $0x974;
	s23 =	smax.u32 s16, $0x1;
	s29 =	sshll.u32 s15, $0x3  }
0xd: {  	s15 =	sshrl.u32 s25, $0x2;
	s11 =	sadd.s32 $0xFFFFFFFF, s6;
	s0 =	sadd.s32 s8, s0  }
0xe: {  	s12 =	ssub.s32 s9, s13;
	s18 =	sshll.u32 s13, $0x4;
	[dreg:$0xf] =	wrdreg s23  }
0xf: {  	s8 =	sor.u32 $0x1C07, s20;
	s24 =	sadd.s32 $0xFFFFFFFD, s6;
	[dreg:$0x7] =	wrdreg s29  }
0x10: {  	s31 =	sadd.s32 $0x2800, s15;
	s14 =	smul.u32 $0x56, s11;
	[dreg:$0x6] =	wrdreg s24  }
0x11: {  	s7 =	sadd.s32 s1, s18;
	s10 =	sshll.u32 s12, $0x9;
	[dreg:$0x5] =	wrdreg s31  }
0x12: {  	s18 =	smul.u32 $0xA0, s4;
	[dreg:$0x9] =	wrdreg s8;
	s19 =	sshrl.u32 s14, $0x8  }
0x13: {  	s0 =	sadd.s32 $0x16A00, s0;
	[dreg:$0x8] =	wrdreg s7;
	s21 =	smul.u32 $0x3, s19  }
0x14: {  	s7 =	sadd.s32 $0x9C40, s7;
	[dreg:$0xe] =	wrdreg s0;
	s19 =	smul.u32 $0x50, s2  }
0x15: {  	s28 =	smul.u32 $0x14000, s4;
	s22 =	sshra.s32 s10, $0x2;
	[dreg:$0xa] =	wrdreg s7  }
0x16: {  	[dreg:$0xb] =	wrdreg s22;
	s1 =	ssub.s32 s11, s21;
	s26 =	sadd.s32 s19, s18  }
0x17: {  	s7 =	sor.u32 $0x80, s22;
	s1 =	sor.u32 $0x4, s1;
	s2 =	smin.u32 s26, $0x974  }
0x18: {  	[dreg:$0xc] =	wrdreg s7;
	s1 =	sand.u32 $0xFF, s1;
	s30 =	sshll.u32 s2, $0x9  }
0x19: {  	[dreg:$0xd] =	wrdreg s1;
	s0 =	ssub.s32 s28, s30  }
0x1a: {  	s20 =	simm.s32 $0x80;
	s1 =	sshrl.u32 s17, $0x3;
	[dreg:$0x10] =	wrdreg s0  }
0x1b: {  	s21 =	simm.s32 $0x0;
	s2 =	simm.s32 $0x7;
	[dreg:$0x11] =	wrdreg s1  }
.LBB2_1:
0x1c: {  	s0 =	rddreg [dreg:$0x2]  }
0x1d: {  	[spmem:s1], [sflag:s8] =	dma.local [hbm:s0], $0x1602  }
0x1e: {  	_ =	swait.ge [sflag:s2], $0x1602  }
0x1f: {  	s24 =	simm.s32 $0x0;
	s4 =	simm.s32 $0x2800;
	[sflag:s2] =	ssyncset.done $0x0  }
0x20: {  	s22 =	simm.s32 $0x5000;
	s25 =	rddreg [dreg:$0x8];
	[sflag:s2] =	ssyncadd.s32 $0xFFFFE9FE  }
0x21: {  	[tilespmem:s24], [sflag:$0x7] =	stream.linear.gather [hbm4b:s25+s24], $0x2800, $0x38;
	[tilespmem:$0x1D810] =	vst v63  }
0x22: {  	s11 =	simm.s32 $0x2;
	s0 =	smulhi.u32 $0xAAAAAAAB, s24;
	_ =	swait.ge [sflag:s2], $0x2800  }
0x23: {  	s23 =	simm.s32 $0x1;
	s1 =	smulhi.u32 $0xAAAAAAAB, s11;
	[sflag:s2] =	ssyncset.done $0x0  }
0x24: {  	s0 =	sshrl.u32 s0, $0x1;
	s26 =	rddreg [dreg:$0xa];
	[sflag:s2] =	ssyncadd.s32 $0xFFFFD800  }
0x25: {  	[tilespmem:s4], [sflag:$0x7] =	stream.linear.gather [hbm4b:s26+s24], $0x2800, $0x38;
	[tilespmem:$0x1D810] =	vst v63  }
0x26: {  	p0 =	por $0x1, $0x1;
	s9 =	smul.u32 $0xFFFFFFF4, s0;
	_ =	swait.ge [sflag:s2], $0x2800  }
0x27: {  	s8 =	simm.s32 $0x9800;
	s0 =	smul.u32 $0xFFFCA000, s0;
	[sflag:s2] =	ssyncset.done $0x0  }
0x28: {  	s1 =	sshrl.u32 s1, $0x1;
	s25 =	smulhi.u32 $0xAAAAAAAB, s23;
	[sflag:s2] =	ssyncadd.s32 $0xFFFFD800  }
0x29: {  	s0 =	sshra.s32 s0, $0x2;
	s2 =	sshra.s32 s9, $0x2;
	[bflag:$0x0] =	sbarrier.arrive $0xFFFF  }
0x2a: {  	s25 =	sshrl.u32 s25, $0x1;
	s2 =	sadd.s32 $0x0, s2;
	s7 =	rddreg [dreg:$0xb]  }
0x2b: {  	[tilespmem:s22], [sflag:$0x1] =	stream.indirect.gather [hbm4b:s5+s20], $0x90, s7, s20, $0xb8;
	[tilespmem:$0x1D810] =	vst v63  }
0x2c: {  	s26 =	smul.u32 $0xFFFFFFF4, s1;
	s10 =	rddreg [dreg:$0xc];
	s23 =	sadd.s32 $0x1, s2  }
0x2d: {  	[tilespmem:s8], [sflag:$0x2] =	stream.indirect.gather [hbm4b:s5+s20], $0x90, s10, s20, $0xb8;
	[tilespmem:$0x1D810] =	vst v63  }
0x2e: {  	s30 =	smul.u32 $0xFFFFFFF4, s25;
	s24 =	sadd.s32 $0x5000, s0;
	_ =	swait.ge [sflag:s23], $0x4800  }
0x2f: {  	s12 =	sshra.s32 s26, $0x2;
	s2 =	sadd.s32 $0x4, s2;
	s4 =	rddreg [dreg:$0x10]  }
0x30: {  	s28 =	rddreg [dreg:$0x5];
	[sflag:s23] =	ssyncset.done $0x0;
	s29 =	sshra.s32 s4, $0x2  }
0x31: {  	[sflag:s23] =	ssyncadd.s32 $0xFFFFB800;
	s13 =	sadd.s32 s29, s28;
	s28 =	sadd.s32 $0x6, s12  }
0x32: {  	[spmem:s3] =	stream.indirect.scatter.add.f32 [tilespmem:s24], [sflag:s2], $0x90, s13, s20, $0xb8;
	[tilespmem:$0x1D810] =	vst v63  }
0x33: {  	s1 =	smul.u32 $0xFFFCA000, s1;
	s28 =	sadd.s32 @!p0 $0x0, s28  }
0x34: {  	p1 =	sle.u32 s6, $0x2;
	_ =	swait.ge @!p0 [sflag:s28], $0x4800  }
0x35: {  	s30 =	sshra.s32 s30, $0x2;
	s1 =	sshra.s32 s1, $0x2;
	[sflag:s28] =	ssyncset.done @!p0 $0x0  }
0x36: {  	s14 =	sadd.s32 $0x2, s30;
	[sflag:s28] =	ssyncadd.s32 @!p0 $0xFFFFB800;
	s28 =	sshra.s32 @!p1 s4, $0x2  }
0x37: {  	s0 =	sadd.s32 $0x3, s12;
	s1 =	sadd.s32 $0xE000, s1;
	s28 =	sadd.s32 @!p1 s28, s15  }
0x38: {  	s0 =	sadd.s32 @!p1 $0x0, s0;
	s29 =	simm.s32 @!p1 $0x80;
	s28 =	sadd.s32 @!p1 $0x100, s28  }
0x39: {  	[tilespmem:s1], [sflag:s0] =	stream.indirect.gather @!p1 [hbm4b:s5+s29], $0x90, s28, s29, $0xb8;
	[tilespmem:$0x1D810] =	vst v63  }
0x3a: {  	s16 =	smul.u32 $0xFFFCA000, s25;
	s0 =	sadd.s32 $0x0, s14  }
0x3b: {  	s17 =	sadd.s32 $0x5, s30;
	_ =	swait.ge [sflag:s0], $0x4800  }
0x3c: {  	s25 =	sadd.s32 $0x0, s17;
	s1 =	sshra.s32 s16, $0x2;
	[sflag:s0] =	ssyncset.done $0x0  }
0x3d: {  	s26 =	sadd.s32 $0x80, s13;
	s1 =	sadd.s32 $0x9800, s1;
	[sflag:s0] =	ssyncadd.s32 $0xFFFFB800  }
0x3e: {  	[spmem:s3] =	stream.indirect.scatter.add.f32 [tilespmem:s1], [sflag:s25], $0x90, s26, s20, $0xb8;
	[tilespmem:$0x1D810] =	vst v63  }
0x3f: {  	_ =	swait.ge [sflag:s2], $0x4800  }
0x40: {  	s19 =	rddreg [dreg:$0x7]  }
0x41: {  	p1 =	sne.s32 s19, $0x8  }
.Ltmp0:
0x42: {  	_ = 	snop;
	(pc) =	sbr.rel @!p1 .LBB2_3-.Ltmp0, $4  }
0x43: {  	s30 =	simm.s32 $0x12800;
	s31 =	sadd.s32 $0x400, s4;
	s28 =	simm.s32 $0x4  }
0x44: {  	s29 =	simm.s32 $0x17000;
	s0 =	simm.s32 $0x3;
	s18 =	rddreg [dreg:$0x6]  }
0x45: {  	s25 =	simm.s32 $0x8;
	[sflag:s2] =	ssyncset.done $0x0;
	p0 =	sle.u32 s18, $0x0  }
0x46: {  	s26 =	simm.s32 $0x2;
	[sflag:s2] =	ssyncadd.s32 $0xFFFFB800;
	s1 =	sshra.s32 @!p0 s4, $0x2  }
.LBB2_2:
0x47: {  	s19 =	sadd.s32 @!p0 s1, s15;
	s13 =	smulhi.u32 $0xAAAAAAAB, s26  }
0x48: {  	s22 =	sadd.s32 $0x9000, s22;
	s9 =	smov.u32 s25;
	s14 =	smulhi.u32 $0xAAAAAAAB, s0  }
0x49: {  	s2 =	smov.u32 s26;
	s11 =	simm.s32 @!p0 $0x80;
	s16 =	smulhi.u32 $0xAAAAAAAB, s28  }
0x4a: {  	s26 =	sadd.s32 $0x2, s26;
	s10 =	sshra.s32 s31, $0x2;
	s19 =	sadd.s32 @!p0 $0x180, s19  }
0x4b: {  	[tilespmem:s24], [sflag:s23] =	stream.indirect.gather @!p0 [hbm4b:s5+s11], $0x90, s19, s11, $0xb8;
	[tilespmem:$0x1D810] =	vst v63  }
0x4c: {  	s7 =	sshra.s32 s9, $0x2;
	p1 =	sge.u32 s26, s6;
	s11 =	sshrl.u32 s13, $0x1  }
0x4d: {  	s19 =	sshrl.u32 s14, $0x1;
	p0 =	seq.s32 s9, $0x0;
	s17 =	smul.u32 $0xFFFFFFF4, s11  }
0x4e: {  	s14 =	simm.s32 @!p1 $0x80;
	s4 =	sshra.s32 @!p1 s31, $0x2;
	s24 =	sshrl.u32 s16, $0x1  }
0x4f: {  	s8 =	sshra.s32 @!p1 s9, $0x2;
	s11 =	smul.u32 $0xFFFCA000, s11;
	s23 =	sshra.s32 s17, $0x2  }
0x50: {  	s16 =	smul.u32 $0xFFFCA000, s24;
	s9 =	sshra.s32 @!p0 s9, $0x2;
	s13 =	sadd.s32 s7, s23  }
0x51: {  	s4 =	sadd.s32 @!p1 s4, s15;
	s11 =	sshra.s32 s11, $0x2;
	s23 =	sadd.s32 $0x1, s13  }
0x52: {  	s17 =	smul.u32 $0xFFFFFFF4, s24;
	s16 =	sshra.s32 s16, $0x2;
	_ =	swait.ge [sflag:s23], $0x4800  }
0x53: {  	s24 =	sadd.s32 s11, s22;
	s11 =	smul.u32 $0xFFFFFFF4, s19;
	[sflag:s23] =	ssyncset.done $0x0  }
0x54: {  	s17 =	sshra.s32 s17, $0x2;
	s12 =	rddreg [dreg:$0x5];
	[sflag:s23] =	ssyncadd.s32 $0xFFFFB800  }
0x55: {  	s10 =	sadd.s32 s10, s12;
	s12 =	sadd.s32 $0x4, s13;
	s13 =	sadd.s32 $0x6, s17  }
0x56: {  	[spmem:s3] =	stream.indirect.scatter.add.f32 [tilespmem:s24], [sflag:s12], $0x90, s10, s20, $0xb8;
	[tilespmem:$0x1D810] =	vst v63  }
0x57: {  	s4 =	sadd.s32 @!p1 $0x100, s4;
	s16 =	sadd.s32 s16, s29;
	s9 =	sadd.s32 @!p0 s9, s13  }
0x58: {  	s19 =	smul.u32 $0xFFFCA000, s19;
	s11 =	sshra.s32 s11, $0x2;
	_ =	swait.ge @!p0 [sflag:s9], $0x4800  }
0x59: {  	s18 =	sadd.s32 $0x3, s17;
	s17 =	sadd.s32 $0x2, s11;
	[sflag:s9] =	ssyncset.done @!p0 $0x0  }
0x5a: {  	s8 =	sadd.s32 @!p1 s8, s18;
	s18 =	sadd.s32 s7, s17;
	[sflag:s9] =	ssyncadd.s32 @!p0 $0xFFFFB800  }
0x5b: {  	[tilespmem:s16], [sflag:s8] =	stream.indirect.gather @!p1 [hbm4b:s5+s14], $0x90, s4, s14, $0xb8;
	[tilespmem:$0x1D810] =	vst v63  }
0x5c: {  	s11 =	sadd.s32 $0x5, s11;
	_ =	swait.ge [sflag:s18], $0x4800  }
0x5d: {  	s7 =	sadd.s32 s7, s11;
	s17 =	sshra.s32 s19, $0x2;
	[sflag:s18] =	ssyncset.done $0x0  }
0x5e: {  	s16 =	sadd.s32 $0x80, s10;
	s8 =	sadd.s32 s17, s30;
	[sflag:s18] =	ssyncadd.s32 $0xFFFFB800  }
0x5f: {  	[spmem:s3] =	stream.indirect.scatter.add.f32 [tilespmem:s8], [sflag:s7], $0x90, s16, s20, $0xb8;
	[tilespmem:$0x1D810] =	vst v63  }
0x60: {  	_ =	swait.ge [sflag:s12], $0x4800  }
0x61: {  	s25 =	sadd.s32 $0x8, s25;
	s19 =	rddreg [dreg:$0x7]  }
0x62: {  	p1 =	sne.s32 s19, s25  }
.Ltmp1:
0x63: {  	_ = 	snop;
	(pc) =	sbr.rel @p1 .LBB2_2-.Ltmp1, $4  }
0x64: {  	s1 =	smov.u32 s31;
	s28 =	sadd.s32 $0x2, s28  }
0x65: {  	s0 =	sadd.s32 $0x2, s0;
	s31 =	sadd.s32 $0x400, s31;
	s18 =	rddreg [dreg:$0x6]  }
0x66: {  	s29 =	sadd.s32 $0x9000, s29;
	[sflag:s12] =	ssyncset.done $0x0;
	p0 =	sge.u32 s2, s18  }
0x67: {  	s30 =	sadd.s32 $0x9000, s30;
	[sflag:s12] =	ssyncadd.s32 $0xFFFFB800;
	s1 =	sshra.s32 @!p0 s1, $0x2  }
.LBB2_3:
0x68: {  	s0 =	sadd.s32 @!p0 s1, s15  }
0x69: {  	s1 =	simm.s32 @!p0 $0x80;
	s29 =	rddreg [dreg:$0xd];
	s0 =	sadd.s32 @!p0 $0x180, s0  }
0x6a: {  	[tilespmem:s24], [sflag:s23] =	stream.indirect.gather @!p0 [hbm4b:s5+s1], $0x90, s0, s1, $0xb8;
	[tilespmem:$0x1D810] =	vst v63  }
0x6b: {  	_ =	swait.ge [sflag:s29], $0x4800  }
0x6c: {  	[sflag:s29] =	ssyncset.done $0x0  }
0x6d: {  	[sflag:s29] =	ssyncadd.s32 $0xFFFFB800  }
0x6e: {  	[bflag:$0x0] =	sbarrier.arrive $0xFFFF  }
0x6f: {  	s8 =	rddreg [dreg:$0x9]  }
0x70: {  	s30 =	rddreg [dreg:$0xe]  }
0x71: {  	s2 =	simm.s32 $0x7;
	s1 =	rddreg [dreg:$0x11]  }
0x72: {  	[hbm:s30], [sflag:s8] =	dma.local [spmem:s1], $0x1602  }
0x73: {  	_ =	swait.ge [sflag:s2], $0x1602  }
0x74: {  	s21 =	sadd.s32 $0x1, s21;
	s31 =	rddreg [dreg:$0xf]  }
0x75: {  	p0 =	sne.s32 s21, s31  }
.Ltmp2:
0x76: {  	_ = 	snop;
	(pc) =	sbr.rel @p0 .LBB2_1-.Ltmp2, $3  }
0x77: {  	_ =	sdelay $0x1  }
0x78: {  	[sflag:s2] =	ssyncset.done $0x0  }
0x79: {  	[sflag:s2] =	ssyncadd.s32 $0xFFFFE9FE  }
0x7a: {  	_ =	sfence.sel $0x180000  }
0x7b: {  	[bflag:$0x0] =	sbarrier.arrive $0xFFFF  }
0x7c: {  	_ =	strace $0x90000047  }
0x7d: {  	s0 =	stileid.u32;
	[bflag:$0x2] =	sbarrier.arrive $0xFFFF  }
0x7e: {  	p0 =	sne.s32 s0, $0x0;
	s0 =	rddreg [dreg:$0x4]  }
0x7f: {  	s0 =	sadd.s32 @!p0 $0x100000, s0  }
0x80: {  	[sflag:s0] =	ssyncadd.tile.s32 @!p0 $0x1;
	_ =	shalt  }
.Lfunc_end2:
_tile_overlayer_lowered:
.L_overlay_start_2:
0x81: {  	(tag) =	ssettag $0x2  }
0x82: {  	s0 =	rddreg [dreg:$0x0];
	s2 =	stileid.u32  }
0x83: {  	s1 =	rddreg [dreg:$0x1];
	p0 =	sne.s32 s2, $0x0  }
0x84: {  	s3 =	rddreg [dreg:$0x2];
	[bflag:$0x3] =	sbarrier.arrive $0xFFFF;
	s2 =	simm.s32 @!p0 $0x1C07  }
0x85: {  	[timem:s3], [sflag:s2] =	dma.local @!p0 [hbm:s0], s1  }
0x86: {  	s0 =	simm.s32 @!p0 $0x7  }
0x87: {  	_ =	swait.ge @!p0 [sflag:s0], s1  }
0x88: {  	s1 =	ssub.s32 @!p0 $0x0, s1;
	[sflag:s0] =	ssyncset.done @!p0 $0x0  }
0x89: {  	[sflag:s0] =	ssyncadd.s32 @!p0 s1  }
0x8a: {  	[bflag:$0x3] =	sbarrier.arrive $0xFFFF  }
0x8b: {  	_ =	shalt  }

</sc_bundles>
